<compile_context>
chip_gen: v7x
topology: tpu7x:2x2x1
jax: 0.10.2.dev20260603
libtpu: 0.0.44.dev20260713+nightly
codegen_flags: <defaults>
</compile_context>

<pallas_src>
import functools

import jax
import jax.numpy as jnp
from jax import lax
from jax.experimental import pallas as pl
from jax.experimental.pallas import tpu as pltpu
from jax.experimental.pallas import tpu_sc as plsc

N_NODES = 10000
E_EDGES = 320000
DIN = 128
DH = 64
DHALF = DIN // 2

NC, NS = 2, 16
CH = 128
NCHUNK = 160
EP_T = CH * NCHUNK
E_PAD = NS * EP_T
NIROWS = E_PAD // CH
ACC_ROWS = 10240
ZROWS = ACC_ROWS // NS
NBUF = 5


def _sc_mesh():
  return plsc.VectorSubcoreMesh(
      core_axis_name="c", subcore_axis_name="s", num_cores=NC, num_subcores=NS)


@functools.cache
def _sc_degree_kernel():
  return pl.kernel(
      _sc_degree_body,
      out_type=jax.ShapeDtypeStruct((NC, ACC_ROWS), jnp.float32),
      mesh=_sc_mesh(),
      scratch_types=[
          pltpu.VMEM((NIROWS // (NC * NS), CH), jnp.int32),
          pltpu.VMEM((CH,), jnp.float32),
          pltpu.VMEM_SHARED((ACC_ROWS,), jnp.float32),
      ],
  )


def _sc_degree_body(rowd_hbm, zeros1d_hbm, ones_hbm, out_hbm, idx_v, ones_v,
                    acc):
  c = lax.axis_index("c")
  s = lax.axis_index("s")
  wid = s * NC + c
  nck = NIROWS // (NC * NS)
  pltpu.sync_copy(ones_hbm, ones_v)
  pltpu.sync_copy(zeros1d_hbm, acc.at[pl.ds(s * ZROWS, ZROWS)])
  pltpu.sync_copy(rowd_hbm.at[pl.ds(wid * nck, nck)], idx_v)
  plsc.subcore_barrier()

  @pl.loop(0, nck)
  def _(j):
    pltpu.sync_copy(ones_v, acc.at[idx_v.at[j]], add=True)

  plsc.subcore_barrier()
  pltpu.sync_copy(acc.at[pl.ds(s * ZROWS, ZROWS)],
                  out_hbm.at[c, pl.ds(s * ZROWS, ZROWS)])


@functools.cache
def _sc_propagate_kernel():
  return pl.kernel(
      _sc_propagate_body,
      out_type=jax.ShapeDtypeStruct((NC, ACC_ROWS, DHALF), jnp.float32),
      mesh=_sc_mesh(),
      compiler_params=pltpu.CompilerParams(use_tc_tiling_on_sc=False),
      scratch_types=[
          pltpu.VMEM((NCHUNK, CH), jnp.int32),
          pltpu.VMEM((NCHUNK, CH), jnp.int32),
          [pltpu.VMEM((CH, DHALF), jnp.float32) for _ in range(NBUF)],
          [pltpu.SemaphoreType.DMA for _ in range(NBUF)],
          pltpu.VMEM_SHARED((ACC_ROWS, DHALF), jnp.float32),
      ],
  )


def _sc_propagate_body(xsp_hbm, rowg_hbm, col_hbm, zeros2d_hbm, out_hbm,
                       rowi_v, coli_v, bufs, gsem, acc):
  c = lax.axis_index("c")
  s = lax.axis_index("s")
  pltpu.sync_copy(rowg_hbm.at[c, pl.ds(s * NCHUNK, NCHUNK)], rowi_v)
  pltpu.sync_copy(col_hbm.at[pl.ds(s * NCHUNK, NCHUNK)], coli_v)
  pltpu.sync_copy(zeros2d_hbm, acc.at[pl.ds(s * ZROWS, ZROWS)])
  plsc.subcore_barrier()

  for b in range(NBUF):
    pltpu.async_copy(xsp_hbm.at[rowi_v.at[b]], bufs[b], gsem[b])

  @pl.loop(0, NCHUNK, step=NBUF)
  def _(j):
    for b in range(NBUF):
      k = j + b
      pltpu.make_async_copy(xsp_hbm.at[rowi_v.at[k]], bufs[b], gsem[b]).wait()

      pltpu.sync_copy(bufs[b], acc.at[coli_v.at[k]], add=True)

      @pl.when(k + NBUF < NCHUNK)
      def _():
        pltpu.async_copy(xsp_hbm.at[rowi_v.at[k + NBUF]], bufs[b], gsem[b])

  plsc.subcore_barrier()
  pltpu.sync_copy(acc.at[pl.ds(s * ZROWS, ZROWS)],
                  out_hbm.at[c, pl.ds(s * ZROWS, ZROWS)])


def _tc_scale_body(x_ref, degp_ref, xsp_ref, dinv_ref):
  deg = degp_ref[0] + degp_ref[1]
  dinv = jnp.where(deg > 0.0, lax.rsqrt(jnp.maximum(deg, 1e-12)), 0.0)
  dinv_ref[...] = dinv
  xs = x_ref[...] * dinv
  xsp_ref[0] = xs[:, :DHALF]
  xsp_ref[1] = xs[:, DHALF:]


def _tc_scale(x, degp3):
  R = 400
  return pl.pallas_call(
      _tc_scale_body,
      grid=(N_NODES // R,),
      in_specs=[
          pl.BlockSpec((R, DIN), lambda i: (i, 0)),
          pl.BlockSpec((NC, R, 1), lambda i: (0, i, 0)),
      ],
      out_specs=[
          pl.BlockSpec((NC, R, DHALF), lambda i: (0, i, 0)),
          pl.BlockSpec((R, 1), lambda i: (i, 0)),
      ],
      out_shape=[
          jax.ShapeDtypeStruct((NC, N_NODES, DHALF), jnp.float32),
          jax.ShapeDtypeStruct((N_NODES, 1), jnp.float32),
      ],
  )(x, degp3)


def _tc_gates_body(x_ref, s_ref, dinv_ref, w0_ref, w1t_ref, w1b_ref, bias_ref,
                   wc2_ref, wl_ref, blin_ref, out_ref):
  x = x_ref[...]
  dinv = dinv_ref[...]
  px0 = -dinv * s_ref[0]
  px1 = -dinv * s_ref[1]
  dot = lambda a, b: jnp.dot(a, b, preferred_element_type=jnp.float32)

  def gate(g):
    return (dot(x, w0_ref[g]) + dot(px0, w1t_ref[g]) + dot(px1, w1b_ref[g])
            + bias_ref[0, g])

  gi, gc, go = gate(0), gate(1), gate(2)
  cs = jax.nn.sigmoid(gi) * jnp.tanh(gc)
  o = jax.nn.sigmoid(go + wc2_ref[...] * cs)
  h = o * jnp.tanh(cs)
  out_ref[...] = jax.nn.sigmoid(
      jnp.sum(h * wl_ref[...], axis=1, keepdims=True) + blin_ref[...])


def _tc_gates(x, s_part, dinv, w0, w1t, w1b, bias, wc2, wl, blin):
  R = 400
  full = lambda shape: pl.BlockSpec(shape, lambda i: tuple(0 for _ in shape))
  return pl.pallas_call(
      _tc_gates_body,
      grid=(N_NODES // R,),
      in_specs=[
          pl.BlockSpec((R, DIN), lambda i: (i, 0)),
          pl.BlockSpec((NC, R, DHALF), lambda i: (0, i, 0)),
          pl.BlockSpec((R, 1), lambda i: (i, 0)),
          full((3, DIN, DH)), full((3, DHALF, DH)), full((3, DHALF, DH)),
          full((1, 3, DH)), full((1, DH)), full((1, DH)), full((1, 1)),
      ],
      out_specs=pl.BlockSpec((R, 1), lambda i: (i, 0)),
      out_shape=jax.ShapeDtypeStruct((N_NODES, 1), jnp.float32),
  )(x, s_part, dinv, w0, w1t, w1b, bias, wc2, wl, blin)


def kernel(x, edge_index, Wx, bx, Wh, bh, w_c, b_g, W_lin, b_lin):
  row = edge_index[0]
  col = edge_index[1]
  npad = E_PAD - E_EDGES
  pad0 = jnp.zeros((npad,), jnp.int32)
  padd = jnp.full((npad,), N_NODES, jnp.int32)
  rowg = jnp.concatenate([row, pad0]).reshape(NIROWS, CH)
  rowg2 = jnp.stack([rowg, rowg + N_NODES])
  rowd = jnp.concatenate([row, padd]).reshape(NIROWS, CH)
  cols = jnp.concatenate([col, padd]).reshape(NIROWS, CH)
  zeros1d = jnp.zeros((ZROWS,), jnp.float32)
  zeros2d = jnp.zeros((ZROWS, DHALF), jnp.float32)
  ones1d = jnp.ones((CH,), jnp.float32)

  degp = _sc_degree_kernel()(rowd, zeros1d, ones1d)
  degp3 = degp[:, :N_NODES, None]
  xsp, dinv = _tc_scale(x, degp3)
  xs_flat = xsp.reshape(NC * N_NODES, DHALF)
  s_part = _sc_propagate_kernel()(xs_flat, rowg2, cols, zeros2d)[:, :N_NODES]

  gsel = jnp.array([0, 2, 3])
  w0 = Wx[gsel, 0]
  w1t = Wx[gsel, 1, :DHALF]
  w1b = Wx[gsel, 1, DHALF:]
  bias = (bx + bh + b_g)[gsel][None]
  out = _tc_gates(x, s_part, dinv, w0, w1t, w1b, bias,
                  w_c[2][None, :], W_lin.reshape(1, DH), b_lin.reshape(1, 1))
  return out

# --- scband reference (transcript-rebuilt; emitter-appended) ---
"""Pipeline reference for scband-gconv-lstmregression-29437705847599 (READ-ONLY COPY).

The authoritative reference and input builder live on the scoring server;
editing this copy changes nothing except your own understanding.
"""

import jax, jax.numpy as jnp
import numpy as np

N = 10000
E = 320000
DIN = 128
DH = 64
DOUT = 1
K = 2


def setup_inputs(seed: int = 0) -> dict:
    key = jax.random.key(seed)
    ks = jax.random.split(key, 12)
    x = jax.random.normal(ks[0], (N, DIN), dtype=jnp.float32)
    edge_index = jax.random.randint(ks[1], (2, E), 0, N, dtype=jnp.int32)
    sx = 1.0 / np.sqrt(K * DIN)
    sh = 1.0 / np.sqrt(K * DH)
    # ChebConv weights for gates (i, f, c, o), stacked along leading axis
    Wx = jax.random.normal(ks[2], (4, K, DIN, DH), dtype=jnp.float32) * sx
    bx = jax.random.normal(ks[3], (4, DH), dtype=jnp.float32) * 0.01
    Wh = jax.random.normal(ks[4], (4, K, DH, DH), dtype=jnp.float32) * sh
    bh = jax.random.normal(ks[5], (4, DH), dtype=jnp.float32) * 0.01
    # peephole weights w_c_i, w_c_f, w_c_o and gate biases b_i, b_f, b_c, b_o
    w_c = jax.random.normal(ks[6], (3, DH), dtype=jnp.float32) * 0.1
    b_g = jax.random.normal(ks[7], (4, DH), dtype=jnp.float32) * 0.01
    W_lin = jax.random.normal(ks[8], (DH, DOUT), dtype=jnp.float32) * (1.0 / np.sqrt(DH))
    b_lin = jax.random.normal(ks[9], (DOUT,), dtype=jnp.float32) * 0.01
    return {"x": x, "edge_index": edge_index, "Wx": Wx, "bx": bx, "Wh": Wh,
            "bh": bh, "w_c": w_c, "b_g": b_g, "W_lin": W_lin, "b_lin": b_lin}


def reference(x, edge_index, Wx, bx, Wh, bh, w_c, b_g, W_lin, b_lin):
    row = edge_index[0]
    col = edge_index[1]
    # ChebConv normalization (sym, lambda_max=2.0, no edge_weight):
    # T_hat = L_hat = (2/lambda_max) * (I - D^-1/2 A D^-1/2) - I = -D^-1/2 A D^-1/2
    deg = jax.ops.segment_sum(jnp.ones((E,), dtype=jnp.float32), row, num_segments=N)
    dinv = jnp.where(deg > 0, 1.0 / jnp.sqrt(jnp.maximum(deg, 1e-12)), 0.0)
    norm = -(dinv[row] * dinv[col])

    def prop(t):
        return jax.ops.segment_sum(norm[:, None] * t[row], col, num_segments=N)

    def cheb(xin, W, b):
        Tx0 = xin
        out = Tx0 @ W[0]
        Tx1 = prop(Tx0)
        out = out + Tx1 @ W[1]
        Txp, Txc = Tx0, Tx1
        for k in range(2, W.shape[0]):
            Txn = 2.0 * prop(Txc) - Txp
            out = out + Txn @ W[k]
            Txp, Txc = Txc, Txn
        return out + b

    H = jnp.zeros((N, DH), dtype=jnp.float32)
    C = jnp.zeros((N, DH), dtype=jnp.float32)
    I = jax.nn.sigmoid(cheb(x, Wx[0], bx[0]) + cheb(H, Wh[0], bh[0]) + w_c[0] * C + b_g[0])
    Fg = jax.nn.sigmoid(cheb(x, Wx[1], bx[1]) + cheb(H, Wh[1], bh[1]) + w_c[1] * C + b_g[1])
    T = jnp.tanh(cheb(x, Wx[2], bx[2]) + cheb(H, Wh[2], bh[2]) + b_g[2])
    C = Fg * C + I * T
    O = jax.nn.sigmoid(cheb(x, Wx[3], bx[3]) + cheb(H, Wh[3], bh[3]) + w_c[2] * C + b_g[3])
    H = O * jnp.tanh(C)
    out = jax.nn.sigmoid(H @ W_lin + b_lin)
    return out

if __name__ == "__main__":
    import jax
    _d = setup_inputs()
    print(jax.jit(kernel)(*tuple(_d.values())))

</pallas_src>

<mosaic_0001>
#map = affine_map<(d0, d1) -> (0, 0)>
#map1 = affine_map<(d0, d1) -> (0, 0, 0)>
module attributes {stable_mosaic.version = 14 : i64} {
  func.func @_sc_propagate_body(%arg0: i32, %arg1: i32, %arg2: memref<20000x64xf32, #tpu.memory_space<hbm>>, %arg3: memref<2x2560x128xi32, #tpu.memory_space<hbm>>, %arg4: memref<2560x128xi32, #tpu.memory_space<hbm>>, %arg5: memref<640x64xf32, #tpu.memory_space<hbm>>, %arg6: memref<2x10240x64xf32, #tpu.memory_space<hbm>>, %arg7: memref<160x128xi32, #tpu.memory_space<vmem>>, %arg8: memref<160x128xi32, #tpu.memory_space<vmem>>, %arg9: memref<128x64xf32, #tpu.memory_space<vmem>>, %arg10: memref<128x64xf32, #tpu.memory_space<vmem>>, %arg11: memref<128x64xf32, #tpu.memory_space<vmem>>, %arg12: memref<128x64xf32, #tpu.memory_space<vmem>>, %arg13: memref<128x64xf32, #tpu.memory_space<vmem>>, %arg14: memref<!tpu.dma_semaphore, #tpu.memory_space<semaphore_mem>>, %arg15: memref<!tpu.dma_semaphore, #tpu.memory_space<semaphore_mem>>, %arg16: memref<!tpu.dma_semaphore, #tpu.memory_space<semaphore_mem>>, %arg17: memref<!tpu.dma_semaphore, #tpu.memory_space<semaphore_mem>>, %arg18: memref<!tpu.dma_semaphore, #tpu.memory_space<semaphore_mem>>, %arg19: memref<10240x64xf32, #tpu.memory_space<vmem_shared>>) attributes {dimension_semantics = [#tpu.dimension_semantics<core_parallel>, #tpu.dimension_semantics<subcore_parallel>], iteration_bounds = array<i64: 2, 16>, scalar_prefetch = 0 : i64, scratch_operands = 13 : i64, tpu.core_type = #tpu.core_type<sc_vector_subcore>, window_params = [{transform_indices = #map}, {transform_indices = #map1}, {transform_indices = #map}, {transform_indices = #map}, {transform_indices = #map1}]} {
    %mul3A = arith.constant 160 : i32
    %mul3A_0 = arith.muli %arg1, %mul3A : i32
    "tpu.region"() ({
      %run_scoped3A = tpu.sem_alloc : memref<!tpu.dma_semaphore, #tpu.memory_space<semaphore_mem>>
      %dma_start3A_48 = arith.constant 0 : i32
      %dma_start3A_49 = tpu.memref_slice %arg3[%arg0, %mul3A_0, %dma_start3A_48] : memref<2x2560x128xi32, #tpu.memory_space<hbm>> -> memref<1x160x128xi32, #tpu.memory_space<hbm>>
      %dma_start3A_50 = tpu.memref_squeeze %dma_start3A_49 : memref<1x160x128xi32, #tpu.memory_space<hbm>> -> memref<160x128xi32, #tpu.memory_space<hbm>>
      %dma_start3A_51 = arith.constant 0 : i32
      %dma_start3A_52 = tpu.memref_slice %arg3[%arg0, %mul3A_0, %dma_start3A_51] : memref<2x2560x128xi32, #tpu.memory_space<hbm>> -> memref<1x160x128xi32, #tpu.memory_space<hbm>>
      %dma_start3A_53 = tpu.memref_squeeze %dma_start3A_52 : memref<1x160x128xi32, #tpu.memory_space<hbm>> -> memref<160x128xi32, #tpu.memory_space<hbm>>
      tpu.enqueue_dma source(%dma_start3A_53 : memref<160x128xi32, #tpu.memory_space<hbm>>) target(%arg7 : memref<160x128xi32, #tpu.memory_space<vmem>>) target_semaphore(%run_scoped3A : memref<!tpu.dma_semaphore, #tpu.memory_space<semaphore_mem>>)
      %dma_wait3A = arith.constant 0 : i32
      %dma_wait3A_54 = tpu.memref_slice %arg3[%arg0, %mul3A_0, %dma_wait3A] : memref<2x2560x128xi32, #tpu.memory_space<hbm>> -> memref<1x160x128xi32, #tpu.memory_space<hbm>>
      %dma_wait3A_55 = tpu.memref_squeeze %dma_wait3A_54 : memref<1x160x128xi32, #tpu.memory_space<hbm>> -> memref<160x128xi32, #tpu.memory_space<hbm>>
      %dma_wait3A_56 = arith.constant 0 : i32
      %dma_wait3A_57 = tpu.memref_slice %arg3[%arg0, %mul3A_0, %dma_wait3A_56] : memref<2x2560x128xi32, #tpu.memory_space<hbm>> -> memref<1x160x128xi32, #tpu.memory_space<hbm>>
      %dma_wait3A_58 = tpu.memref_squeeze %dma_wait3A_57 : memref<1x160x128xi32, #tpu.memory_space<hbm>> -> memref<160x128xi32, #tpu.memory_space<hbm>>
      tpu.wait_dma2 semaphore(%run_scoped3A : memref<!tpu.dma_semaphore, #tpu.memory_space<semaphore_mem>>) src(%dma_wait3A_58 : memref<160x128xi32, #tpu.memory_space<hbm>>) dst(%arg7 : memref<160x128xi32, #tpu.memory_space<vmem>>)
      tpu.yield
    }) : () -> ()
    %mul3A_1 = arith.constant 160 : i32
    %mul3A_2 = arith.muli %arg1, %mul3A_1 : i32
    "tpu.region"() ({
      %run_scoped3A = tpu.sem_alloc : memref<!tpu.dma_semaphore, #tpu.memory_space<semaphore_mem>>
      %dma_start3A_48 = arith.constant 0 : i32
      %dma_start3A_49 = tpu.memref_slice %arg4[%mul3A_2, %dma_start3A_48] : memref<2560x128xi32, #tpu.memory_space<hbm>> -> memref<160x128xi32, #tpu.memory_space<hbm>>
      %dma_start3A_50 = arith.constant 0 : i32
      %dma_start3A_51 = tpu.memref_slice %arg4[%mul3A_2, %dma_start3A_50] : memref<2560x128xi32, #tpu.memory_space<hbm>> -> memref<160x128xi32, #tpu.memory_space<hbm>>
      tpu.enqueue_dma source(%dma_start3A_51 : memref<160x128xi32, #tpu.memory_space<hbm>>) target(%arg8 : memref<160x128xi32, #tpu.memory_space<vmem>>) target_semaphore(%run_scoped3A : memref<!tpu.dma_semaphore, #tpu.memory_space<semaphore_mem>>)
      %dma_wait3A = arith.constant 0 : i32
      %dma_wait3A_52 = tpu.memref_slice %arg4[%mul3A_2, %dma_wait3A] : memref<2560x128xi32, #tpu.memory_space<hbm>> -> memref<160x128xi32, #tpu.memory_space<hbm>>
      %dma_wait3A_53 = arith.constant 0 : i32
      %dma_wait3A_54 = tpu.memref_slice %arg4[%mul3A_2, %dma_wait3A_53] : memref<2560x128xi32, #tpu.memory_space<hbm>> -> memref<160x128xi32, #tpu.memory_space<hbm>>
      tpu.wait_dma2 semaphore(%run_scoped3A : memref<!tpu.dma_semaphore, #tpu.memory_space<semaphore_mem>>) src(%dma_wait3A_54 : memref<160x128xi32, #tpu.memory_space<hbm>>) dst(%arg8 : memref<160x128xi32, #tpu.memory_space<vmem>>)
      tpu.yield
    }) : () -> ()
    %mul3A_3 = arith.constant 640 : i32
    %mul3A_4 = arith.muli %arg1, %mul3A_3 : i32
    "tpu.region"() ({
      %run_scoped3A = tpu.sem_alloc : memref<!tpu.dma_semaphore, #tpu.memory_space<semaphore_mem>>
      %dma_start3A_48 = arith.constant 0 : i32
      %dma_start3A_49 = tpu.memref_slice %arg19[%mul3A_4, %dma_start3A_48] : memref<10240x64xf32, #tpu.memory_space<vmem_shared>> -> memref<640x64xf32, #tpu.memory_space<vmem_shared>>
      tpu.enqueue_dma source(%arg5 : memref<640x64xf32, #tpu.memory_space<hbm>>) target(%dma_start3A_49 : memref<640x64xf32, #tpu.memory_space<vmem_shared>>) target_semaphore(%run_scoped3A : memref<!tpu.dma_semaphore, #tpu.memory_space<semaphore_mem>>)
      %dma_wait3A = arith.constant 0 : i32
      %dma_wait3A_50 = tpu.memref_slice %arg19[%mul3A_4, %dma_wait3A] : memref<10240x64xf32, #tpu.memory_space<vmem_shared>> -> memref<640x64xf32, #tpu.memory_space<vmem_shared>>
      tpu.wait_dma2 semaphore(%run_scoped3A : memref<!tpu.dma_semaphore, #tpu.memory_space<semaphore_mem>>) src(%arg5 : memref<640x64xf32, #tpu.memory_space<hbm>>) dst(%dma_wait3A_50 : memref<640x64xf32, #tpu.memory_space<vmem_shared>>)
      tpu.yield
    }) : () -> ()
    %barrier3A = arith.constant 0 : index
    tpu.barrier barrier_id(%barrier3A)
    %dma_start3A = arith.constant 0 : i32
    %dma_start3A_5 = arith.constant 0 : i32
    %dma_start3A_6 = tpu.memref_slice %arg7[%dma_start3A, %dma_start3A_5] : memref<160x128xi32, #tpu.memory_space<vmem>> -> memref<1x128xi32, #tpu.memory_space<vmem>>
    %dma_start3A_7 = tpu.memref_squeeze %dma_start3A_6 : memref<1x128xi32, #tpu.memory_space<vmem>> -> memref<128xi32, #tpu.memory_space<vmem>>
    %dma_start3A_8 = arith.constant 0 : i32
    %dma_start3A_9 = arith.constant 0 : i32
    %dma_start3A_10 = tpu.memref_slice %arg2[%dma_start3A_8, %dma_start3A_9] : memref<20000x64xf32, #tpu.memory_space<hbm>> -> memref<20000x64xf32, #tpu.memory_space<hbm>>
    tpu.enqueue_indirect_dma source(%dma_start3A_10 : memref<20000x64xf32, #tpu.memory_space<hbm>>) target(%arg9 : memref<128x64xf32, #tpu.memory_space<vmem>>) offsets(%dma_start3A_7 : memref<128xi32, #tpu.memory_space<vmem>>) semaphore(%arg14 : memref<!tpu.dma_semaphore, #tpu.memory_space<semaphore_mem>>)
    %dma_start3A_11 = arith.constant 1 : i32
    %dma_start3A_12 = arith.constant 0 : i32
    %dma_start3A_13 = tpu.memref_slice %arg7[%dma_start3A_11, %dma_start3A_12] : memref<160x128xi32, #tpu.memory_space<vmem>> -> memref<1x128xi32, #tpu.memory_space<vmem>>
    %dma_start3A_14 = tpu.memref_squeeze %dma_start3A_13 : memref<1x128xi32, #tpu.memory_space<vmem>> -> memref<128xi32, #tpu.memory_space<vmem>>
    %dma_start3A_15 = arith.constant 0 : i32
    %dma_start3A_16 = arith.constant 0 : i32
    %dma_start3A_17 = tpu.memref_slice %arg2[%dma_start3A_15, %dma_start3A_16] : memref<20000x64xf32, #tpu.memory_space<hbm>> -> memref<20000x64xf32, #tpu.memory_space<hbm>>
    tpu.enqueue_indirect_dma source(%dma_start3A_17 : memref<20000x64xf32, #tpu.memory_space<hbm>>) target(%arg10 : memref<128x64xf32, #tpu.memory_space<vmem>>) offsets(%dma_start3A_14 : memref<128xi32, #tpu.memory_space<vmem>>) semaphore(%arg15 : memref<!tpu.dma_semaphore, #tpu.memory_space<semaphore_mem>>)
    %dma_start3A_18 = arith.constant 2 : i32
    %dma_start3A_19 = arith.constant 0 : i32
    %dma_start3A_20 = tpu.memref_slice %arg7[%dma_start3A_18, %dma_start3A_19] : memref<160x128xi32, #tpu.memory_space<vmem>> -> memref<1x128xi32, #tpu.memory_space<vmem>>
    %dma_start3A_21 = tpu.memref_squeeze %dma_start3A_20 : memref<1x128xi32, #tpu.memory_space<vmem>> -> memref<128xi32, #tpu.memory_space<vmem>>
    %dma_start3A_22 = arith.constant 0 : i32
    %dma_start3A_23 = arith.constant 0 : i32
    %dma_start3A_24 = tpu.memref_slice %arg2[%dma_start3A_22, %dma_start3A_23] : memref<20000x64xf32, #tpu.memory_space<hbm>> -> memref<20000x64xf32, #tpu.memory_space<hbm>>
    tpu.enqueue_indirect_dma source(%dma_start3A_24 : memref<20000x64xf32, #tpu.memory_space<hbm>>) target(%arg11 : memref<128x64xf32, #tpu.memory_space<vmem>>) offsets(%dma_start3A_21 : memref<128xi32, #tpu.memory_space<vmem>>) semaphore(%arg16 : memref<!tpu.dma_semaphore, #tpu.memory_space<semaphore_mem>>)
    %dma_start3A_25 = arith.constant 3 : i32
    %dma_start3A_26 = arith.constant 0 : i32
    %dma_start3A_27 = tpu.memref_slice %arg7[%dma_start3A_25, %dma_start3A_26] : memref<160x128xi32, #tpu.memory_space<vmem>> -> memref<1x128xi32, #tpu.memory_space<vmem>>
    %dma_start3A_28 = tpu.memref_squeeze %dma_start3A_27 : memref<1x128xi32, #tpu.memory_space<vmem>> -> memref<128xi32, #tpu.memory_space<vmem>>
    %dma_start3A_29 = arith.constant 0 : i32
    %dma_start3A_30 = arith.constant 0 : i32
    %dma_start3A_31 = tpu.memref_slice %arg2[%dma_start3A_29, %dma_start3A_30] : memref<20000x64xf32, #tpu.memory_space<hbm>> -> memref<20000x64xf32, #tpu.memory_space<hbm>>
    tpu.enqueue_indirect_dma source(%dma_start3A_31 : memref<20000x64xf32, #tpu.memory_space<hbm>>) target(%arg12 : memref<128x64xf32, #tpu.memory_space<vmem>>) offsets(%dma_start3A_28 : memref<128xi32, #tpu.memory_space<vmem>>) semaphore(%arg17 : memref<!tpu.dma_semaphore, #tpu.memory_space<semaphore_mem>>)
    %dma_start3A_32 = arith.constant 4 : i32
    %dma_start3A_33 = arith.constant 0 : i32
    %dma_start3A_34 = tpu.memref_slice %arg7[%dma_start3A_32, %dma_start3A_33] : memref<160x128xi32, #tpu.memory_space<vmem>> -> memref<1x128xi32, #tpu.memory_space<vmem>>
    %dma_start3A_35 = tpu.memref_squeeze %dma_start3A_34 : memref<1x128xi32, #tpu.memory_space<vmem>> -> memref<128xi32, #tpu.memory_space<vmem>>
    %dma_start3A_36 = arith.constant 0 : i32
    %dma_start3A_37 = arith.constant 0 : i32
    %dma_start3A_38 = tpu.memref_slice %arg2[%dma_start3A_36, %dma_start3A_37] : memref<20000x64xf32, #tpu.memory_space<hbm>> -> memref<20000x64xf32, #tpu.memory_space<hbm>>
    tpu.enqueue_indirect_dma source(%dma_start3A_38 : memref<20000x64xf32, #tpu.memory_space<hbm>>) target(%arg13 : memref<128x64xf32, #tpu.memory_space<vmem>>) offsets(%dma_start3A_35 : memref<128xi32, #tpu.memory_space<vmem>>) semaphore(%arg18 : memref<!tpu.dma_semaphore, #tpu.memory_space<semaphore_mem>>)
    %scan3A = arith.constant 0 : i32
    %scan3A_39 = arith.constant 32 : i32
    %scan3A_40 = arith.addi %scan3A, %scan3A_39 : i32
    %scan3A_41 = arith.constant 1 : i32
    scf.for %scan3A_48 = %scan3A to %scan3A_40 step %scan3A_41  : i32 {
      %mul3A_49 = arith.constant 5 : i32
      %mul3A_50 = arith.muli %scan3A_48, %mul3A_49 : i32
      %add3A = arith.constant 0 : i32
      %add3A_51 = arith.addi %add3A, %mul3A_50 : i32
      %add3A_52 = arith.constant 0 : i32
      %add3A_53 = arith.addi %add3A_51, %add3A_52 : i32
      %dma_wait3A = arith.constant 0 : i32
      %dma_wait3A_54 = tpu.memref_slice %arg7[%add3A_53, %dma_wait3A] : memref<160x128xi32, #tpu.memory_space<vmem>> -> memref<1x128xi32, #tpu.memory_space<vmem>>
      %dma_wait3A_55 = tpu.memref_squeeze %dma_wait3A_54 : memref<1x128xi32, #tpu.memory_space<vmem>> -> memref<128xi32, #tpu.memory_space<vmem>>
      %dma_wait3A_56 = arith.constant 0 : i32
      %dma_wait3A_57 = arith.constant 0 : i32
      %dma_wait3A_58 = tpu.memref_slice %arg2[%dma_wait3A_56, %dma_wait3A_57] : memref<20000x64xf32, #tpu.memory_space<hbm>> -> memref<20000x64xf32, #tpu.memory_space<hbm>>
      tpu.wait_indirect_dma semaphore(%arg14 : memref<!tpu.dma_semaphore, #tpu.memory_space<semaphore_mem>>) src(%dma_wait3A_58 : memref<20000x64xf32, #tpu.memory_space<hbm>>) dst(%arg9 : memref<128x64xf32, #tpu.memory_space<vmem>>)
      "tpu.region"() ({
        %run_scoped3A = tpu.sem_alloc : memref<!tpu.dma_semaphore, #tpu.memory_space<semaphore_mem>>
        %dma_start3A_123 = arith.constant 0 : i32
        %dma_start3A_124 = tpu.memref_slice %arg8[%add3A_53, %dma_start3A_123] : memref<160x128xi32, #tpu.memory_space<vmem>> -> memref<1x128xi32, #tpu.memory_space<vmem>>
        %dma_start3A_125 = tpu.memref_squeeze %dma_start3A_124 : memref<1x128xi32, #tpu.memory_space<vmem>> -> memref<128xi32, #tpu.memory_space<vmem>>
        %dma_start3A_126 = arith.constant 0 : i32
        %dma_start3A_127 = arith.constant 0 : i32
        %dma_start3A_128 = tpu.memref_slice %arg19[%dma_start3A_126, %dma_start3A_127] : memref<10240x64xf32, #tpu.memory_space<vmem_shared>> -> memref<10240x64xf32, #tpu.memory_space<vmem_shared>>
        tpu.enqueue_indirect_dma source(%arg9 : memref<128x64xf32, #tpu.memory_space<vmem>>) target(%dma_start3A_128 : memref<10240x64xf32, #tpu.memory_space<vmem_shared>>) offsets(%dma_start3A_125 : memref<128xi32, #tpu.memory_space<vmem>>) semaphore(%run_scoped3A : memref<!tpu.dma_semaphore, #tpu.memory_space<semaphore_mem>>) {add = true}
        %dma_wait3A_129 = arith.constant 0 : i32
        %dma_wait3A_130 = tpu.memref_slice %arg8[%add3A_53, %dma_wait3A_129] : memref<160x128xi32, #tpu.memory_space<vmem>> -> memref<1x128xi32, #tpu.memory_space<vmem>>
        %dma_wait3A_131 = tpu.memref_squeeze %dma_wait3A_130 : memref<1x128xi32, #tpu.memory_space<vmem>> -> memref<128xi32, #tpu.memory_space<vmem>>
        %dma_wait3A_132 = arith.constant 0 : i32
        %dma_wait3A_133 = arith.constant 0 : i32
        %dma_wait3A_134 = tpu.memref_slice %arg19[%dma_wait3A_132, %dma_wait3A_133] : memref<10240x64xf32, #tpu.memory_space<vmem_shared>> -> memref<10240x64xf32, #tpu.memory_space<vmem_shared>>
        tpu.wait_indirect_dma semaphore(%run_scoped3A : memref<!tpu.dma_semaphore, #tpu.memory_space<semaphore_mem>>) src(%arg9 : memref<128x64xf32, #tpu.memory_space<vmem>>) dst(%dma_wait3A_134 : memref<10240x64xf32, #tpu.memory_space<vmem_shared>>)
        tpu.yield
      }) : () -> ()
      %add3A_59 = arith.constant 5 : i32
      %add3A_60 = arith.addi %add3A_53, %add3A_59 : i32
      %lt3A = arith.constant 160 : i32
      %lt3A_61 = arith.cmpi slt, %add3A_60, %lt3A : i32
      %convert_element_type3A = arith.extui %lt3A_61 : i1 to i32
      %cond3A = arith.constant 0 : i32
      %cond3A_62 = arith.cmpi ne, %convert_element_type3A, %cond3A : i32
      scf.if %cond3A_62 {
        %add3A_123 = arith.constant 5 : i32
        %add3A_124 = arith.addi %add3A_53, %add3A_123 : i32
        %dma_start3A_125 = arith.constant 0 : i32
        %dma_start3A_126 = tpu.memref_slice %arg7[%add3A_124, %dma_start3A_125] : memref<160x128xi32, #tpu.memory_space<vmem>> -> memref<1x128xi32, #tpu.memory_space<vmem>>
        %dma_start3A_127 = tpu.memref_squeeze %dma_start3A_126 : memref<1x128xi32, #tpu.memory_space<vmem>> -> memref<128xi32, #tpu.memory_space<vmem>>
        %dma_start3A_128 = arith.constant 0 : i32
        %dma_start3A_129 = arith.constant 0 : i32
        %dma_start3A_130 = tpu.memref_slice %arg2[%dma_start3A_128, %dma_start3A_129] : memref<20000x64xf32, #tpu.memory_space<hbm>> -> memref<20000x64xf32, #tpu.memory_space<hbm>>
        tpu.enqueue_indirect_dma source(%dma_start3A_130 : memref<20000x64xf32, #tpu.memory_space<hbm>>) target(%arg9 : memref<128x64xf32, #tpu.memory_space<vmem>>) offsets(%dma_start3A_127 : memref<128xi32, #tpu.memory_space<vmem>>) semaphore(%arg14 : memref<!tpu.dma_semaphore, #tpu.memory_space<semaphore_mem>>)
      } else {
      }
      %add3A_63 = arith.constant 1 : i32
      %add3A_64 = arith.addi %add3A_51, %add3A_63 : i32
      %dma_wait3A_65 = arith.constant 0 : i32
      %dma_wait3A_66 = tpu.memref_slice %arg7[%add3A_64, %dma_wait3A_65] : memref<160x128xi32, #tpu.memory_space<vmem>> -> memref<1x128xi32, #tpu.memory_space<vmem>>
      %dma_wait3A_67 = tpu.memref_squeeze %dma_wait3A_66 : memref<1x128xi32, #tpu.memory_space<vmem>> -> memref<128xi32, #tpu.memory_space<vmem>>
      %dma_wait3A_68 = arith.constant 0 : i32
      %dma_wait3A_69 = arith.constant 0 : i32
      %dma_wait3A_70 = tpu.memref_slice %arg2[%dma_wait3A_68, %dma_wait3A_69] : memref<20000x64xf32, #tpu.memory_space<hbm>> -> memref<20000x64xf32, #tpu.memory_space<hbm>>
      tpu.wait_indirect_dma semaphore(%arg15 : memref<!tpu.dma_semaphore, #tpu.memory_space<semaphore_mem>>) src(%dma_wait3A_70 : memref<20000x64xf32, #tpu.memory_space<hbm>>) dst(%arg10 : memref<128x64xf32, #tpu.memory_space<vmem>>)
      "tpu.region"() ({
        %run_scoped3A = tpu.sem_alloc : memref<!tpu.dma_semaphore, #tpu.memory_space<semaphore_mem>>
        %dma_start3A_123 = arith.constant 0 : i32
        %dma_start3A_124 = tpu.memref_slice %arg8[%add3A_64, %dma_start3A_123] : memref<160x128xi32, #tpu.memory_space<vmem>> -> memref<1x128xi32, #tpu.memory_space<vmem>>
        %dma_start3A_125 = tpu.memref_squeeze %dma_start3A_124 : memref<1x128xi32, #tpu.memory_space<vmem>> -> memref<128xi32, #tpu.memory_space<vmem>>
        %dma_start3A_126 = arith.constant 0 : i32
        %dma_start3A_127 = arith.constant 0 : i32
        %dma_start3A_128 = tpu.memref_slice %arg19[%dma_start3A_126, %dma_start3A_127] : memref<10240x64xf32, #tpu.memory_space<vmem_shared>> -> memref<10240x64xf32, #tpu.memory_space<vmem_shared>>
        tpu.enqueue_indirect_dma source(%arg10 : memref<128x64xf32, #tpu.memory_space<vmem>>) target(%dma_start3A_128 : memref<10240x64xf32, #tpu.memory_space<vmem_shared>>) offsets(%dma_start3A_125 : memref<128xi32, #tpu.memory_space<vmem>>) semaphore(%run_scoped3A : memref<!tpu.dma_semaphore, #tpu.memory_space<semaphore_mem>>) {add = true}
        %dma_wait3A_129 = arith.constant 0 : i32
        %dma_wait3A_130 = tpu.memref_slice %arg8[%add3A_64, %dma_wait3A_129] : memref<160x128xi32, #tpu.memory_space<vmem>> -> memref<1x128xi32, #tpu.memory_space<vmem>>
        %dma_wait3A_131 = tpu.memref_squeeze %dma_wait3A_130 : memref<1x128xi32, #tpu.memory_space<vmem>> -> memref<128xi32, #tpu.memory_space<vmem>>
        %dma_wait3A_132 = arith.constant 0 : i32
        %dma_wait3A_133 = arith.constant 0 : i32
        %dma_wait3A_134 = tpu.memref_slice %arg19[%dma_wait3A_132, %dma_wait3A_133] : memref<10240x64xf32, #tpu.memory_space<vmem_shared>> -> memref<10240x64xf32, #tpu.memory_space<vmem_shared>>
        tpu.wait_indirect_dma semaphore(%run_scoped3A : memref<!tpu.dma_semaphore, #tpu.memory_space<semaphore_mem>>) src(%arg10 : memref<128x64xf32, #tpu.memory_space<vmem>>) dst(%dma_wait3A_134 : memref<10240x64xf32, #tpu.memory_space<vmem_shared>>)
        tpu.yield
      }) : () -> ()
      %add3A_71 = arith.constant 5 : i32
      %add3A_72 = arith.addi %add3A_64, %add3A_71 : i32
      %lt3A_73 = arith.constant 160 : i32
      %lt3A_74 = arith.cmpi slt, %add3A_72, %lt3A_73 : i32
      %convert_element_type3A_75 = arith.extui %lt3A_74 : i1 to i32
      %cond3A_76 = arith.constant 0 : i32
      %cond3A_77 = arith.cmpi ne, %convert_element_type3A_75, %cond3A_76 : i32
      scf.if %cond3A_77 {
        %add3A_123 = arith.constant 5 : i32
        %add3A_124 = arith.addi %add3A_64, %add3A_123 : i32
        %dma_start3A_125 = arith.constant 0 : i32
        %dma_start3A_126 = tpu.memref_slice %arg7[%add3A_124, %dma_start3A_125] : memref<160x128xi32, #tpu.memory_space<vmem>> -> memref<1x128xi32, #tpu.memory_space<vmem>>
        %dma_start3A_127 = tpu.memref_squeeze %dma_start3A_126 : memref<1x128xi32, #tpu.memory_space<vmem>> -> memref<128xi32, #tpu.memory_space<vmem>>
        %dma_start3A_128 = arith.constant 0 : i32
        %dma_start3A_129 = arith.constant 0 : i32
        %dma_start3A_130 = tpu.memref_slice %arg2[%dma_start3A_128, %dma_start3A_129] : memref<20000x64xf32, #tpu.memory_space<hbm>> -> memref<20000x64xf32, #tpu.memory_space<hbm>>
        tpu.enqueue_indirect_dma source(%dma_start3A_130 : memref<20000x64xf32, #tpu.memory_space<hbm>>) target(%arg10 : memref<128x64xf32, #tpu.memory_space<vmem>>) offsets(%dma_start3A_127 : memref<128xi32, #tpu.memory_space<vmem>>) semaphore(%arg15 : memref<!tpu.dma_semaphore, #tpu.memory_space<semaphore_mem>>)
      } else {
      }
      %add3A_78 = arith.constant 2 : i32
      %add3A_79 = arith.addi %add3A_51, %add3A_78 : i32
      %dma_wait3A_80 = arith.constant 0 : i32
      %dma_wait3A_81 = tpu.memref_slice %arg7[%add3A_79, %dma_wait3A_80] : memref<160x128xi32, #tpu.memory_space<vmem>> -> memref<1x128xi32, #tpu.memory_space<vmem>>
      %dma_wait3A_82 = tpu.memref_squeeze %dma_wait3A_81 : memref<1x128xi32, #tpu.memory_space<vmem>> -> memref<128xi32, #tpu.memory_space<vmem>>
      %dma_wait3A_83 = arith.constant 0 : i32
      %dma_wait3A_84 = arith.constant 0 : i32
      %dma_wait3A_85 = tpu.memref_slice %arg2[%dma_wait3A_83, %dma_wait3A_84] : memref<20000x64xf32, #tpu.memory_space<hbm>> -> memref<20000x64xf32, #tpu.memory_space<hbm>>
      tpu.wait_indirect_dma semaphore(%arg16 : memref<!tpu.dma_semaphore, #tpu.memory_space<semaphore_mem>>) src(%dma_wait3A_85 : memref<20000x64xf32, #tpu.memory_space<hbm>>) dst(%arg11 : memref<128x64xf32, #tpu.memory_space<vmem>>)
      "tpu.region"() ({
        %run_scoped3A = tpu.sem_alloc : memref<!tpu.dma_semaphore, #tpu.memory_space<semaphore_mem>>
        %dma_start3A_123 = arith.constant 0 : i32
        %dma_start3A_124 = tpu.memref_slice %arg8[%add3A_79, %dma_start3A_123] : memref<160x128xi32, #tpu.memory_space<vmem>> -> memref<1x128xi32, #tpu.memory_space<vmem>>
        %dma_start3A_125 = tpu.memref_squeeze %dma_start3A_124 : memref<1x128xi32, #tpu.memory_space<vmem>> -> memref<128xi32, #tpu.memory_space<vmem>>
        %dma_start3A_126 = arith.constant 0 : i32
        %dma_start3A_127 = arith.constant 0 : i32
        %dma_start3A_128 = tpu.memref_slice %arg19[%dma_start3A_126, %dma_start3A_127] : memref<10240x64xf32, #tpu.memory_space<vmem_shared>> -> memref<10240x64xf32, #tpu.memory_space<vmem_shared>>
        tpu.enqueue_indirect_dma source(%arg11 : memref<128x64xf32, #tpu.memory_space<vmem>>) target(%dma_start3A_128 : memref<10240x64xf32, #tpu.memory_space<vmem_shared>>) offsets(%dma_start3A_125 : memref<128xi32, #tpu.memory_space<vmem>>) semaphore(%run_scoped3A : memref<!tpu.dma_semaphore, #tpu.memory_space<semaphore_mem>>) {add = true}
        %dma_wait3A_129 = arith.constant 0 : i32
        %dma_wait3A_130 = tpu.memref_slice %arg8[%add3A_79, %dma_wait3A_129] : memref<160x128xi32, #tpu.memory_space<vmem>> -> memref<1x128xi32, #tpu.memory_space<vmem>>
        %dma_wait3A_131 = tpu.memref_squeeze %dma_wait3A_130 : memref<1x128xi32, #tpu.memory_space<vmem>> -> memref<128xi32, #tpu.memory_space<vmem>>
        %dma_wait3A_132 = arith.constant 0 : i32
        %dma_wait3A_133 = arith.constant 0 : i32
        %dma_wait3A_134 = tpu.memref_slice %arg19[%dma_wait3A_132, %dma_wait3A_133] : memref<10240x64xf32, #tpu.memory_space<vmem_shared>> -> memref<10240x64xf32, #tpu.memory_space<vmem_shared>>
        tpu.wait_indirect_dma semaphore(%run_scoped3A : memref<!tpu.dma_semaphore, #tpu.memory_space<semaphore_mem>>) src(%arg11 : memref<128x64xf32, #tpu.memory_space<vmem>>) dst(%dma_wait3A_134 : memref<10240x64xf32, #tpu.memory_space<vmem_shared>>)
        tpu.yield
      }) : () -> ()
      %add3A_86 = arith.constant 5 : i32
      %add3A_87 = arith.addi %add3A_79, %add3A_86 : i32
      %lt3A_88 = arith.constant 160 : i32
      %lt3A_89 = arith.cmpi slt, %add3A_87, %lt3A_88 : i32
      %convert_element_type3A_90 = arith.extui %lt3A_89 : i1 to i32
      %cond3A_91 = arith.constant 0 : i32
      %cond3A_92 = arith.cmpi ne, %convert_element_type3A_90, %cond3A_91 : i32
      scf.if %cond3A_92 {
        %add3A_123 = arith.constant 5 : i32
        %add3A_124 = arith.addi %add3A_79, %add3A_123 : i32
        %dma_start3A_125 = arith.constant 0 : i32
        %dma_start3A_126 = tpu.memref_slice %arg7[%add3A_124, %dma_start3A_125] : memref<160x128xi32, #tpu.memory_space<vmem>> -> memref<1x128xi32, #tpu.memory_space<vmem>>
        %dma_start3A_127 = tpu.memref_squeeze %dma_start3A_126 : memref<1x128xi32, #tpu.memory_space<vmem>> -> memref<128xi32, #tpu.memory_space<vmem>>
        %dma_start3A_128 = arith.constant 0 : i32
        %dma_start3A_129 = arith.constant 0 : i32
        %dma_start3A_130 = tpu.memref_slice %arg2[%dma_start3A_128, %dma_start3A_129] : memref<20000x64xf32, #tpu.memory_space<hbm>> -> memref<20000x64xf32, #tpu.memory_space<hbm>>
        tpu.enqueue_indirect_dma source(%dma_start3A_130 : memref<20000x64xf32, #tpu.memory_space<hbm>>) target(%arg11 : memref<128x64xf32, #tpu.memory_space<vmem>>) offsets(%dma_start3A_127 : memref<128xi32, #tpu.memory_space<vmem>>) semaphore(%arg16 : memref<!tpu.dma_semaphore, #tpu.memory_space<semaphore_mem>>)
      } else {
      }
      %add3A_93 = arith.constant 3 : i32
      %add3A_94 = arith.addi %add3A_51, %add3A_93 : i32
      %dma_wait3A_95 = arith.constant 0 : i32
      %dma_wait3A_96 = tpu.memref_slice %arg7[%add3A_94, %dma_wait3A_95] : memref<160x128xi32, #tpu.memory_space<vmem>> -> memref<1x128xi32, #tpu.memory_space<vmem>>
      %dma_wait3A_97 = tpu.memref_squeeze %dma_wait3A_96 : memref<1x128xi32, #tpu.memory_space<vmem>> -> memref<128xi32, #tpu.memory_space<vmem>>
      %dma_wait3A_98 = arith.constant 0 : i32
      %dma_wait3A_99 = arith.constant 0 : i32
      %dma_wait3A_100 = tpu.memref_slice %arg2[%dma_wait3A_98, %dma_wait3A_99] : memref<20000x64xf32, #tpu.memory_space<hbm>> -> memref<20000x64xf32, #tpu.memory_space<hbm>>
      tpu.wait_indirect_dma semaphore(%arg17 : memref<!tpu.dma_semaphore, #tpu.memory_space<semaphore_mem>>) src(%dma_wait3A_100 : memref<20000x64xf32, #tpu.memory_space<hbm>>) dst(%arg12 : memref<128x64xf32, #tpu.memory_space<vmem>>)
      "tpu.region"() ({
        %run_scoped3A = tpu.sem_alloc : memref<!tpu.dma_semaphore, #tpu.memory_space<semaphore_mem>>
        %dma_start3A_123 = arith.constant 0 : i32
        %dma_start3A_124 = tpu.memref_slice %arg8[%add3A_94, %dma_start3A_123] : memref<160x128xi32, #tpu.memory_space<vmem>> -> memref<1x128xi32, #tpu.memory_space<vmem>>
        %dma_start3A_125 = tpu.memref_squeeze %dma_start3A_124 : memref<1x128xi32, #tpu.memory_space<vmem>> -> memref<128xi32, #tpu.memory_space<vmem>>
        %dma_start3A_126 = arith.constant 0 : i32
        %dma_start3A_127 = arith.constant 0 : i32
        %dma_start3A_128 = tpu.memref_slice %arg19[%dma_start3A_126, %dma_start3A_127] : memref<10240x64xf32, #tpu.memory_space<vmem_shared>> -> memref<10240x64xf32, #tpu.memory_space<vmem_shared>>
        tpu.enqueue_indirect_dma source(%arg12 : memref<128x64xf32, #tpu.memory_space<vmem>>) target(%dma_start3A_128 : memref<10240x64xf32, #tpu.memory_space<vmem_shared>>) offsets(%dma_start3A_125 : memref<128xi32, #tpu.memory_space<vmem>>) semaphore(%run_scoped3A : memref<!tpu.dma_semaphore, #tpu.memory_space<semaphore_mem>>) {add = true}
        %dma_wait3A_129 = arith.constant 0 : i32
        %dma_wait3A_130 = tpu.memref_slice %arg8[%add3A_94, %dma_wait3A_129] : memref<160x128xi32, #tpu.memory_space<vmem>> -> memref<1x128xi32, #tpu.memory_space<vmem>>
        %dma_wait3A_131 = tpu.memref_squeeze %dma_wait3A_130 : memref<1x128xi32, #tpu.memory_space<vmem>> -> memref<128xi32, #tpu.memory_space<vmem>>
        %dma_wait3A_132 = arith.constant 0 : i32
        %dma_wait3A_133 = arith.constant 0 : i32
        %dma_wait3A_134 = tpu.memref_slice %arg19[%dma_wait3A_132, %dma_wait3A_133] : memref<10240x64xf32, #tpu.memory_space<vmem_shared>> -> memref<10240x64xf32, #tpu.memory_space<vmem_shared>>
        tpu.wait_indirect_dma semaphore(%run_scoped3A : memref<!tpu.dma_semaphore, #tpu.memory_space<semaphore_mem>>) src(%arg12 : memref<128x64xf32, #tpu.memory_space<vmem>>) dst(%dma_wait3A_134 : memref<10240x64xf32, #tpu.memory_space<vmem_shared>>)
        tpu.yield
      }) : () -> ()
      %add3A_101 = arith.constant 5 : i32
      %add3A_102 = arith.addi %add3A_94, %add3A_101 : i32
      %lt3A_103 = arith.constant 160 : i32
      %lt3A_104 = arith.cmpi slt, %add3A_102, %lt3A_103 : i32
      %convert_element_type3A_105 = arith.extui %lt3A_104 : i1 to i32
      %cond3A_106 = arith.constant 0 : i32
      %cond3A_107 = arith.cmpi ne, %convert_element_type3A_105, %cond3A_106 : i32
      scf.if %cond3A_107 {
        %add3A_123 = arith.constant 5 : i32
        %add3A_124 = arith.addi %add3A_94, %add3A_123 : i32
        %dma_start3A_125 = arith.constant 0 : i32
        %dma_start3A_126 = tpu.memref_slice %arg7[%add3A_124, %dma_start3A_125] : memref<160x128xi32, #tpu.memory_space<vmem>> -> memref<1x128xi32, #tpu.memory_space<vmem>>
        %dma_start3A_127 = tpu.memref_squeeze %dma_start3A_126 : memref<1x128xi32, #tpu.memory_space<vmem>> -> memref<128xi32, #tpu.memory_space<vmem>>
        %dma_start3A_128 = arith.constant 0 : i32
        %dma_start3A_129 = arith.constant 0 : i32
        %dma_start3A_130 = tpu.memref_slice %arg2[%dma_start3A_128, %dma_start3A_129] : memref<20000x64xf32, #tpu.memory_space<hbm>> -> memref<20000x64xf32, #tpu.memory_space<hbm>>
        tpu.enqueue_indirect_dma source(%dma_start3A_130 : memref<20000x64xf32, #tpu.memory_space<hbm>>) target(%arg12 : memref<128x64xf32, #tpu.memory_space<vmem>>) offsets(%dma_start3A_127 : memref<128xi32, #tpu.memory_space<vmem>>) semaphore(%arg17 : memref<!tpu.dma_semaphore, #tpu.memory_space<semaphore_mem>>)
      } else {
      }
      %add3A_108 = arith.constant 4 : i32
      %add3A_109 = arith.addi %add3A_51, %add3A_108 : i32
      %dma_wait3A_110 = arith.constant 0 : i32
      %dma_wait3A_111 = tpu.memref_slice %arg7[%add3A_109, %dma_wait3A_110] : memref<160x128xi32, #tpu.memory_space<vmem>> -> memref<1x128xi32, #tpu.memory_space<vmem>>
      %dma_wait3A_112 = tpu.memref_squeeze %dma_wait3A_111 : memref<1x128xi32, #tpu.memory_space<vmem>> -> memref<128xi32, #tpu.memory_space<vmem>>
      %dma_wait3A_113 = arith.constant 0 : i32
      %dma_wait3A_114 = arith.constant 0 : i32
      %dma_wait3A_115 = tpu.memref_slice %arg2[%dma_wait3A_113, %dma_wait3A_114] : memref<20000x64xf32, #tpu.memory_space<hbm>> -> memref<20000x64xf32, #tpu.memory_space<hbm>>
      tpu.wait_indirect_dma semaphore(%arg18 : memref<!tpu.dma_semaphore, #tpu.memory_space<semaphore_mem>>) src(%dma_wait3A_115 : memref<20000x64xf32, #tpu.memory_space<hbm>>) dst(%arg13 : memref<128x64xf32, #tpu.memory_space<vmem>>)
      "tpu.region"() ({
        %run_scoped3A = tpu.sem_alloc : memref<!tpu.dma_semaphore, #tpu.memory_space<semaphore_mem>>
        %dma_start3A_123 = arith.constant 0 : i32
        %dma_start3A_124 = tpu.memref_slice %arg8[%add3A_109, %dma_start3A_123] : memref<160x128xi32, #tpu.memory_space<vmem>> -> memref<1x128xi32, #tpu.memory_space<vmem>>
        %dma_start3A_125 = tpu.memref_squeeze %dma_start3A_124 : memref<1x128xi32, #tpu.memory_space<vmem>> -> memref<128xi32, #tpu.memory_space<vmem>>
        %dma_start3A_126 = arith.constant 0 : i32
        %dma_start3A_127 = arith.constant 0 : i32
        %dma_start3A_128 = tpu.memref_slice %arg19[%dma_start3A_126, %dma_start3A_127] : memref<10240x64xf32, #tpu.memory_space<vmem_shared>> -> memref<10240x64xf32, #tpu.memory_space<vmem_shared>>
        tpu.enqueue_indirect_dma source(%arg13 : memref<128x64xf32, #tpu.memory_space<vmem>>) target(%dma_start3A_128 : memref<10240x64xf32, #tpu.memory_space<vmem_shared>>) offsets(%dma_start3A_125 : memref<128xi32, #tpu.memory_space<vmem>>) semaphore(%run_scoped3A : memref<!tpu.dma_semaphore, #tpu.memory_space<semaphore_mem>>) {add = true}
        %dma_wait3A_129 = arith.constant 0 : i32
        %dma_wait3A_130 = tpu.memref_slice %arg8[%add3A_109, %dma_wait3A_129] : memref<160x128xi32, #tpu.memory_space<vmem>> -> memref<1x128xi32, #tpu.memory_space<vmem>>
        %dma_wait3A_131 = tpu.memref_squeeze %dma_wait3A_130 : memref<1x128xi32, #tpu.memory_space<vmem>> -> memref<128xi32, #tpu.memory_space<vmem>>
        %dma_wait3A_132 = arith.constant 0 : i32
        %dma_wait3A_133 = arith.constant 0 : i32
        %dma_wait3A_134 = tpu.memref_slice %arg19[%dma_wait3A_132, %dma_wait3A_133] : memref<10240x64xf32, #tpu.memory_space<vmem_shared>> -> memref<10240x64xf32, #tpu.memory_space<vmem_shared>>
        tpu.wait_indirect_dma semaphore(%run_scoped3A : memref<!tpu.dma_semaphore, #tpu.memory_space<semaphore_mem>>) src(%arg13 : memref<128x64xf32, #tpu.memory_space<vmem>>) dst(%dma_wait3A_134 : memref<10240x64xf32, #tpu.memory_space<vmem_shared>>)
        tpu.yield
      }) : () -> ()
      %add3A_116 = arith.constant 5 : i32
      %add3A_117 = arith.addi %add3A_109, %add3A_116 : i32
      %lt3A_118 = arith.constant 160 : i32
      %lt3A_119 = arith.cmpi slt, %add3A_117, %lt3A_118 : i32
      %convert_element_type3A_120 = arith.extui %lt3A_119 : i1 to i32
      %cond3A_121 = arith.constant 0 : i32
      %cond3A_122 = arith.cmpi ne, %convert_element_type3A_120, %cond3A_121 : i32
      scf.if %cond3A_122 {
        %add3A_123 = arith.constant 5 : i32
        %add3A_124 = arith.addi %add3A_109, %add3A_123 : i32
        %dma_start3A_125 = arith.constant 0 : i32
        %dma_start3A_126 = tpu.memref_slice %arg7[%add3A_124, %dma_start3A_125] : memref<160x128xi32, #tpu.memory_space<vmem>> -> memref<1x128xi32, #tpu.memory_space<vmem>>
        %dma_start3A_127 = tpu.memref_squeeze %dma_start3A_126 : memref<1x128xi32, #tpu.memory_space<vmem>> -> memref<128xi32, #tpu.memory_space<vmem>>
        %dma_start3A_128 = arith.constant 0 : i32
        %dma_start3A_129 = arith.constant 0 : i32
        %dma_start3A_130 = tpu.memref_slice %arg2[%dma_start3A_128, %dma_start3A_129] : memref<20000x64xf32, #tpu.memory_space<hbm>> -> memref<20000x64xf32, #tpu.memory_space<hbm>>
        tpu.enqueue_indirect_dma source(%dma_start3A_130 : memref<20000x64xf32, #tpu.memory_space<hbm>>) target(%arg13 : memref<128x64xf32, #tpu.memory_space<vmem>>) offsets(%dma_start3A_127 : memref<128xi32, #tpu.memory_space<vmem>>) semaphore(%arg18 : memref<!tpu.dma_semaphore, #tpu.memory_space<semaphore_mem>>)
      } else {
      }
    }
    %scan3A_42 = arith.constant 32 : i32
    %barrier3A_43 = arith.constant 0 : index
    tpu.barrier barrier_id(%barrier3A_43)
    %mul3A_44 = arith.constant 640 : i32
    %mul3A_45 = arith.muli %arg1, %mul3A_44 : i32
    %mul3A_46 = arith.constant 640 : i32
    %mul3A_47 = arith.muli %arg1, %mul3A_46 : i32
    "tpu.region"() ({
      %run_scoped3A = tpu.sem_alloc : memref<!tpu.dma_semaphore, #tpu.memory_space<semaphore_mem>>
      %dma_start3A_48 = arith.constant 0 : i32
      %dma_start3A_49 = tpu.memref_slice %arg6[%arg0, %mul3A_47, %dma_start3A_48] : memref<2x10240x64xf32, #tpu.memory_space<hbm>> -> memref<1x640x64xf32, #tpu.memory_space<hbm>>
      %dma_start3A_50 = tpu.memref_squeeze %dma_start3A_49 : memref<1x640x64xf32, #tpu.memory_space<hbm>> -> memref<640x64xf32, #tpu.memory_space<hbm>>
      %dma_start3A_51 = arith.constant 0 : i32
      %dma_start3A_52 = tpu.memref_slice %arg19[%mul3A_45, %dma_start3A_51] : memref<10240x64xf32, #tpu.memory_space<vmem_shared>> -> memref<640x64xf32, #tpu.memory_space<vmem_shared>>
      tpu.enqueue_dma source(%dma_start3A_52 : memref<640x64xf32, #tpu.memory_space<vmem_shared>>) target(%dma_start3A_50 : memref<640x64xf32, #tpu.memory_space<hbm>>) target_semaphore(%run_scoped3A : memref<!tpu.dma_semaphore, #tpu.memory_space<semaphore_mem>>)
      %dma_wait3A = arith.constant 0 : i32
      %dma_wait3A_53 = tpu.memref_slice %arg6[%arg0, %mul3A_47, %dma_wait3A] : memref<2x10240x64xf32, #tpu.memory_space<hbm>> -> memref<1x640x64xf32, #tpu.memory_space<hbm>>
      %dma_wait3A_54 = tpu.memref_squeeze %dma_wait3A_53 : memref<1x640x64xf32, #tpu.memory_space<hbm>> -> memref<640x64xf32, #tpu.memory_space<hbm>>
      %dma_wait3A_55 = arith.constant 0 : i32
      %dma_wait3A_56 = tpu.memref_slice %arg19[%mul3A_45, %dma_wait3A_55] : memref<10240x64xf32, #tpu.memory_space<vmem_shared>> -> memref<640x64xf32, #tpu.memory_space<vmem_shared>>
      tpu.wait_dma2 semaphore(%run_scoped3A : memref<!tpu.dma_semaphore, #tpu.memory_space<semaphore_mem>>) src(%dma_wait3A_56 : memref<640x64xf32, #tpu.memory_space<vmem_shared>>) dst(%dma_wait3A_54 : memref<640x64xf32, #tpu.memory_space<hbm>>)
      tpu.yield
    }) : () -> ()
    return
  }
}

#map = affine_map<(d0, d1) -> (0, 0)>
#map1 = affine_map<(d0, d1) -> (0)>
module attributes {stable_mosaic.version = 14 : i64} {
  func.func @_sc_degree_body(%arg0: i32, %arg1: i32, %arg2: memref<2560x128xi32, #tpu.memory_space<hbm>>, %arg3: memref<640xf32, #tpu.memory_space<hbm>>, %arg4: memref<128xf32, #tpu.memory_space<hbm>>, %arg5: memref<2x10240xf32, #tpu.memory_space<hbm>>, %arg6: memref<80x128xi32, #tpu.memory_space<vmem>>, %arg7: memref<128xf32, #tpu.memory_space<vmem>>, %arg8: memref<10240xf32, #tpu.memory_space<vmem_shared>>) attributes {dimension_semantics = [#tpu.dimension_semantics<core_parallel>, #tpu.dimension_semantics<subcore_parallel>], iteration_bounds = array<i64: 2, 16>, scalar_prefetch = 0 : i64, scratch_operands = 3 : i64, tpu.core_type = #tpu.core_type<sc_vector_subcore>, window_params = [{transform_indices = #map}, {transform_indices = #map1}, {transform_indices = #map1}, {transform_indices = #map}]} {
    %mul3A = arith.constant 2 : i32
    %mul3A_0 = arith.muli %arg1, %mul3A : i32
    %add3A = arith.addi %mul3A_0, %arg0 : i32
    "tpu.region"() ({
      %run_scoped3A = tpu.sem_alloc : memref<!tpu.dma_semaphore, #tpu.memory_space<semaphore_mem>>
      tpu.enqueue_dma source(%arg4 : memref<128xf32, #tpu.memory_space<hbm>>) target(%arg7 : memref<128xf32, #tpu.memory_space<vmem>>) target_semaphore(%run_scoped3A : memref<!tpu.dma_semaphore, #tpu.memory_space<semaphore_mem>>)
      tpu.wait_dma2 semaphore(%run_scoped3A : memref<!tpu.dma_semaphore, #tpu.memory_space<semaphore_mem>>) src(%arg4 : memref<128xf32, #tpu.memory_space<hbm>>) dst(%arg7 : memref<128xf32, #tpu.memory_space<vmem>>)
      tpu.yield
    }) : () -> ()
    %mul3A_1 = arith.constant 640 : i32
    %mul3A_2 = arith.muli %arg1, %mul3A_1 : i32
    "tpu.region"() ({
      %run_scoped3A = tpu.sem_alloc : memref<!tpu.dma_semaphore, #tpu.memory_space<semaphore_mem>>
      %dma_start3A = tpu.memref_slice %arg8[%mul3A_2] : memref<10240xf32, #tpu.memory_space<vmem_shared>> -> memref<640xf32, #tpu.memory_space<vmem_shared>>
      tpu.enqueue_dma source(%arg3 : memref<640xf32, #tpu.memory_space<hbm>>) target(%dma_start3A : memref<640xf32, #tpu.memory_space<vmem_shared>>) target_semaphore(%run_scoped3A : memref<!tpu.dma_semaphore, #tpu.memory_space<semaphore_mem>>)
      %dma_wait3A = tpu.memref_slice %arg8[%mul3A_2] : memref<10240xf32, #tpu.memory_space<vmem_shared>> -> memref<640xf32, #tpu.memory_space<vmem_shared>>
      tpu.wait_dma2 semaphore(%run_scoped3A : memref<!tpu.dma_semaphore, #tpu.memory_space<semaphore_mem>>) src(%arg3 : memref<640xf32, #tpu.memory_space<hbm>>) dst(%dma_wait3A : memref<640xf32, #tpu.memory_space<vmem_shared>>)
      tpu.yield
    }) : () -> ()
    %mul3A_3 = arith.constant 80 : i32
    %mul3A_4 = arith.muli %add3A, %mul3A_3 : i32
    "tpu.region"() ({
      %run_scoped3A = tpu.sem_alloc : memref<!tpu.dma_semaphore, #tpu.memory_space<semaphore_mem>>
      %dma_start3A = arith.constant 0 : i32
      %dma_start3A_14 = tpu.memref_slice %arg2[%mul3A_4, %dma_start3A] : memref<2560x128xi32, #tpu.memory_space<hbm>> -> memref<80x128xi32, #tpu.memory_space<hbm>>
      %dma_start3A_15 = arith.constant 0 : i32
      %dma_start3A_16 = tpu.memref_slice %arg2[%mul3A_4, %dma_start3A_15] : memref<2560x128xi32, #tpu.memory_space<hbm>> -> memref<80x128xi32, #tpu.memory_space<hbm>>
      tpu.enqueue_dma source(%dma_start3A_16 : memref<80x128xi32, #tpu.memory_space<hbm>>) target(%arg6 : memref<80x128xi32, #tpu.memory_space<vmem>>) target_semaphore(%run_scoped3A : memref<!tpu.dma_semaphore, #tpu.memory_space<semaphore_mem>>)
      %dma_wait3A = arith.constant 0 : i32
      %dma_wait3A_17 = tpu.memref_slice %arg2[%mul3A_4, %dma_wait3A] : memref<2560x128xi32, #tpu.memory_space<hbm>> -> memref<80x128xi32, #tpu.memory_space<hbm>>
      %dma_wait3A_18 = arith.constant 0 : i32
      %dma_wait3A_19 = tpu.memref_slice %arg2[%mul3A_4, %dma_wait3A_18] : memref<2560x128xi32, #tpu.memory_space<hbm>> -> memref<80x128xi32, #tpu.memory_space<hbm>>
      tpu.wait_dma2 semaphore(%run_scoped3A : memref<!tpu.dma_semaphore, #tpu.memory_space<semaphore_mem>>) src(%dma_wait3A_19 : memref<80x128xi32, #tpu.memory_space<hbm>>) dst(%arg6 : memref<80x128xi32, #tpu.memory_space<vmem>>)
      tpu.yield
    }) : () -> ()
    %barrier3A = arith.constant 0 : index
    tpu.barrier barrier_id(%barrier3A)
    %scan3A = arith.constant 0 : i32
    %scan3A_5 = arith.constant 80 : i32
    %scan3A_6 = arith.addi %scan3A, %scan3A_5 : i32
    %scan3A_7 = arith.constant 1 : i32
    scf.for %scan3A_14 = %scan3A to %scan3A_6 step %scan3A_7  : i32 {
      %mul3A_15 = arith.constant 1 : i32
      %mul3A_16 = arith.muli %scan3A_14, %mul3A_15 : i32
      %add3A_17 = arith.constant 0 : i32
      %add3A_18 = arith.addi %add3A_17, %mul3A_16 : i32
      "tpu.region"() ({
        %run_scoped3A = tpu.sem_alloc : memref<!tpu.dma_semaphore, #tpu.memory_space<semaphore_mem>>
        %dma_start3A = arith.constant 0 : i32
        %dma_start3A_19 = tpu.memref_slice %arg6[%add3A_18, %dma_start3A] : memref<80x128xi32, #tpu.memory_space<vmem>> -> memref<1x128xi32, #tpu.memory_space<vmem>>
        %dma_start3A_20 = tpu.memref_squeeze %dma_start3A_19 : memref<1x128xi32, #tpu.memory_space<vmem>> -> memref<128xi32, #tpu.memory_space<vmem>>
        %dma_start3A_21 = arith.constant 0 : i32
        %dma_start3A_22 = tpu.memref_slice %arg8[%dma_start3A_21] : memref<10240xf32, #tpu.memory_space<vmem_shared>> -> memref<10240xf32, #tpu.memory_space<vmem_shared>>
        tpu.enqueue_indirect_dma source(%arg7 : memref<128xf32, #tpu.memory_space<vmem>>) target(%dma_start3A_22 : memref<10240xf32, #tpu.memory_space<vmem_shared>>) offsets(%dma_start3A_20 : memref<128xi32, #tpu.memory_space<vmem>>) semaphore(%run_scoped3A : memref<!tpu.dma_semaphore, #tpu.memory_space<semaphore_mem>>) {add = true}
        %dma_wait3A = arith.constant 0 : i32
        %dma_wait3A_23 = tpu.memref_slice %arg6[%add3A_18, %dma_wait3A] : memref<80x128xi32, #tpu.memory_space<vmem>> -> memref<1x128xi32, #tpu.memory_space<vmem>>
        %dma_wait3A_24 = tpu.memref_squeeze %dma_wait3A_23 : memref<1x128xi32, #tpu.memory_space<vmem>> -> memref<128xi32, #tpu.memory_space<vmem>>
        %dma_wait3A_25 = arith.constant 0 : i32
        %dma_wait3A_26 = tpu.memref_slice %arg8[%dma_wait3A_25] : memref<10240xf32, #tpu.memory_space<vmem_shared>> -> memref<10240xf32, #tpu.memory_space<vmem_shared>>
        tpu.wait_indirect_dma semaphore(%run_scoped3A : memref<!tpu.dma_semaphore, #tpu.memory_space<semaphore_mem>>) src(%arg7 : memref<128xf32, #tpu.memory_space<vmem>>) dst(%dma_wait3A_26 : memref<10240xf32, #tpu.memory_space<vmem_shared>>)
        tpu.yield
      }) : () -> ()
    }
    %scan3A_8 = arith.constant 80 : i32
    %barrier3A_9 = arith.constant 0 : index
    tpu.barrier barrier_id(%barrier3A_9)
    %mul3A_10 = arith.constant 640 : i32
    %mul3A_11 = arith.muli %arg1, %mul3A_10 : i32
    %mul3A_12 = arith.constant 640 : i32
    %mul3A_13 = arith.muli %arg1, %mul3A_12 : i32
    "tpu.region"() ({
      %run_scoped3A = tpu.sem_alloc : memref<!tpu.dma_semaphore, #tpu.memory_space<semaphore_mem>>
      %dma_start3A = tpu.memref_slice %arg5[%arg0, %mul3A_13] : memref<2x10240xf32, #tpu.memory_space<hbm>> -> memref<1x640xf32, #tpu.memory_space<hbm>>
      %dma_start3A_14 = tpu.memref_squeeze %dma_start3A : memref<1x640xf32, #tpu.memory_space<hbm>> -> memref<640xf32, #tpu.memory_space<hbm>>
      %dma_start3A_15 = tpu.memref_slice %arg8[%mul3A_11] : memref<10240xf32, #tpu.memory_space<vmem_shared>> -> memref<640xf32, #tpu.memory_space<vmem_shared>>
      tpu.enqueue_dma source(%dma_start3A_15 : memref<640xf32, #tpu.memory_space<vmem_shared>>) target(%dma_start3A_14 : memref<640xf32, #tpu.memory_space<hbm>>) target_semaphore(%run_scoped3A : memref<!tpu.dma_semaphore, #tpu.memory_space<semaphore_mem>>)
      %dma_wait3A = tpu.memref_slice %arg5[%arg0, %mul3A_13] : memref<2x10240xf32, #tpu.memory_space<hbm>> -> memref<1x640xf32, #tpu.memory_space<hbm>>
      %dma_wait3A_16 = tpu.memref_squeeze %dma_wait3A : memref<1x640xf32, #tpu.memory_space<hbm>> -> memref<640xf32, #tpu.memory_space<hbm>>
      %dma_wait3A_17 = tpu.memref_slice %arg8[%mul3A_11] : memref<10240xf32, #tpu.memory_space<vmem_shared>> -> memref<640xf32, #tpu.memory_space<vmem_shared>>
      tpu.wait_dma2 semaphore(%run_scoped3A : memref<!tpu.dma_semaphore, #tpu.memory_space<semaphore_mem>>) src(%dma_wait3A_17 : memref<640xf32, #tpu.memory_space<vmem_shared>>) dst(%dma_wait3A_16 : memref<640xf32, #tpu.memory_space<hbm>>)
      tpu.yield
    }) : () -> ()
    return
  }
}

module attributes {stable_mosaic.version = 14 : i64} {
  func.func @_tc_scale_body(%arg0: i32, %arg1: memref<400x128xf32, #tpu.memory_space<vmem>>, %arg2: memref<2x400x1xf32, #tpu.memory_space<vmem>>, %arg3: memref<2x400x64xf32, #tpu.memory_space<vmem>>, %arg4: memref<400x1xf32, #tpu.memory_space<vmem>>) attributes {dimension_semantics = [#tpu.dimension_semantics<arbitrary>], iteration_bounds = array<i64: 25>, scalar_prefetch = 0 : i64, scratch_operands = 0 : i64, tpu.core_type = #tpu.core_type<tc>, window_params = [{transform_indices = @transform_0, window_bounds = array<i64: 400, 128>}, {transform_indices = @transform_1, window_bounds = array<i64: 2, 400, 1>}, {transform_indices = @transform_2, window_bounds = array<i64: 2, 400, 64>}, {transform_indices = @transform_3, window_bounds = array<i64: 400, 1>}]} {
    %get3A = arith.constant 0 : index
    %get3A_0 = arith.constant 0 : index
    %get3A_1 = arith.constant 0 : index
    %get3A_2 = vector.load %arg2[%get3A, %get3A_0, %get3A_1] : memref<2x400x1xf32, #tpu.memory_space<vmem>>, vector<1x400x1xf32>
    %get3A_3 = vector.shape_cast %get3A_2 : vector<1x400x1xf32> to vector<400x1xf32>
    %get3A_4 = arith.constant 1 : index
    %get3A_5 = arith.constant 0 : index
    %get3A_6 = arith.constant 0 : index
    %get3A_7 = vector.load %arg2[%get3A_4, %get3A_5, %get3A_6] : memref<2x400x1xf32, #tpu.memory_space<vmem>>, vector<1x400x1xf32>
    %get3A_8 = vector.shape_cast %get3A_7 : vector<1x400x1xf32> to vector<400x1xf32>
    %add3A = arith.addf %get3A_3, %get3A_8 : vector<400x1xf32>
    %gt3A = arith.constant 0.000000e+00 : f32
    %gt3A_9 = vector.broadcast %gt3A : f32 to vector<400x1xf32>
    %gt3A_10 = arith.cmpf ogt, %add3A, %gt3A_9 : vector<400x1xf32>
    %max3A = arith.constant 9.99999996E-13 : f32
    %max3A_11 = vector.broadcast %max3A : f32 to vector<400x1xf32>
    %max3A_12 = arith.maximumf %add3A, %max3A_11 : vector<400x1xf32>
    %rsqrt3A = math.rsqrt %max3A_12 : vector<400x1xf32>
    %jit3A = arith.constant 0.000000e+00 : f32
    %broadcast_in_dim3A = vector.broadcast %jit3A : f32 to vector<400x1xf32>
    %select_n3A = arith.select %gt3A_10, %rsqrt3A, %broadcast_in_dim3A : vector<400x1xi1>, vector<400x1xf32>
    %swap3A = arith.constant 0 : index
    %swap3A_13 = arith.constant 0 : index
    %swap3A_14 = vector.load %arg4[%swap3A, %swap3A_13] : memref<400x1xf32, #tpu.memory_space<vmem>>, vector<400x1xf32>
    tpu.vector_store %arg4[%swap3A, %swap3A_13], %select_n3A {strides = array<i32>} : memref<400x1xf32, #tpu.memory_space<vmem>>, vector<400x1xf32>,
    %get3A_15 = arith.constant 0 : index
    %get3A_16 = arith.constant 0 : index
    %get3A_17 = vector.load %arg1[%get3A_15, %get3A_16] : memref<400x128xf32, #tpu.memory_space<vmem>>, vector<400x128xf32>
    %mul3A = vector.broadcast %select_n3A : vector<400x1xf32> to vector<400x128xf32>
    %mul3A_18 = arith.mulf %get3A_17, %mul3A : vector<400x128xf32>
    %slice3A = vector.extract_strided_slice %mul3A_18 {offsets = [0, 0], sizes = [400, 64], strides = [1, 1]} : vector<400x128xf32> to vector<400x64xf32>
    %swap3A_19 = arith.constant 0 : index
    %swap3A_20 = arith.constant 0 : index
    %swap3A_21 = arith.constant 0 : index
    %swap3A_22 = vector.load %arg3[%swap3A_19, %swap3A_20, %swap3A_21] : memref<2x400x64xf32, #tpu.memory_space<vmem>>, vector<1x400x64xf32>
    %swap3A_23 = vector.shape_cast %swap3A_22 : vector<1x400x64xf32> to vector<400x64xf32>
    %swap3A_24 = vector.shape_cast %slice3A : vector<400x64xf32> to vector<1x400x64xf32>
    tpu.vector_store %arg3[%swap3A_19, %swap3A_20, %swap3A_21], %swap3A_24 {strides = array<i32>} : memref<2x400x64xf32, #tpu.memory_space<vmem>>, vector<1x400x64xf32>,
    %slice3A_25 = vector.extract_strided_slice %mul3A_18 {offsets = [0, 64], sizes = [400, 64], strides = [1, 1]} : vector<400x128xf32> to vector<400x64xf32>
    %swap3A_26 = arith.constant 1 : index
    %swap3A_27 = arith.constant 0 : index
    %swap3A_28 = arith.constant 0 : index
    %swap3A_29 = vector.load %arg3[%swap3A_26, %swap3A_27, %swap3A_28] : memref<2x400x64xf32, #tpu.memory_space<vmem>>, vector<1x400x64xf32>
    %swap3A_30 = vector.shape_cast %swap3A_29 : vector<1x400x64xf32> to vector<400x64xf32>
    %swap3A_31 = vector.shape_cast %slice3A_25 : vector<400x64xf32> to vector<1x400x64xf32>
    tpu.vector_store %arg3[%swap3A_26, %swap3A_27, %swap3A_28], %swap3A_31 {strides = array<i32>} : memref<2x400x64xf32, #tpu.memory_space<vmem>>, vector<1x400x64xf32>,
    return
  }
  func.func @transform_0(%arg0: i32) -> (i32, i32) {
    %c0_i32 = arith.constant 0 : i32
    %c0_i32_0 = arith.constant 0 : i32
    return %arg0, %c0_i32 : i32, i32
  }
  func.func @transform_1(%arg0: i32) -> (i32, i32, i32) {
    %c0_i32 = arith.constant 0 : i32
    %c0_i32_0 = arith.constant 0 : i32
    %c0_i32_1 = arith.constant 0 : i32
    return %c0_i32, %arg0, %c0_i32_0 : i32, i32, i32
  }
  func.func @transform_2(%arg0: i32) -> (i32, i32, i32) {
    %c0_i32 = arith.constant 0 : i32
    %c0_i32_0 = arith.constant 0 : i32
    %c0_i32_1 = arith.constant 0 : i32
    return %c0_i32, %arg0, %c0_i32_0 : i32, i32, i32
  }
  func.func @transform_3(%arg0: i32) -> (i32, i32) {
    %c0_i32 = arith.constant 0 : i32
    %c0_i32_0 = arith.constant 0 : i32
    return %arg0, %c0_i32 : i32, i32
  }
}

module attributes {stable_mosaic.version = 14 : i64} {
  func.func @_tc_gates_body(%arg0: i32, %arg1: memref<400x128xf32, #tpu.memory_space<vmem>>, %arg2: memref<2x400x64xf32, #tpu.memory_space<vmem>>, %arg3: memref<400x1xf32, #tpu.memory_space<vmem>>, %arg4: memref<3x128x64xf32, #tpu.memory_space<vmem>>, %arg5: memref<3x64x64xf32, #tpu.memory_space<vmem>>, %arg6: memref<3x64x64xf32, #tpu.memory_space<vmem>>, %arg7: memref<1x3x64xf32, #tpu.memory_space<vmem>>, %arg8: memref<1x64xf32, #tpu.memory_space<vmem>>, %arg9: memref<1x64xf32, #tpu.memory_space<vmem>>, %arg10: memref<1x1xf32, #tpu.memory_space<vmem>>, %arg11: memref<400x1xf32, #tpu.memory_space<vmem>>) attributes {dimension_semantics = [#tpu.dimension_semantics<arbitrary>], iteration_bounds = array<i64: 25>, scalar_prefetch = 0 : i64, scratch_operands = 0 : i64, tpu.core_type = #tpu.core_type<tc>, window_params = [{transform_indices = @transform_0, window_bounds = array<i64: 400, 128>}, {transform_indices = @transform_1, window_bounds = array<i64: 2, 400, 64>}, {transform_indices = @transform_2, window_bounds = array<i64: 400, 1>}, {pipeline_mode = #tpu.pipeline_mode<synchronous>, transform_indices = @transform_3, window_bounds = array<i64: 3, 128, 64>}, {pipeline_mode = #tpu.pipeline_mode<synchronous>, transform_indices = @transform_4, window_bounds = array<i64: 3, 64, 64>}, {pipeline_mode = #tpu.pipeline_mode<synchronous>, transform_indices = @transform_5, window_bounds = array<i64: 3, 64, 64>}, {pipeline_mode = #tpu.pipeline_mode<synchronous>, transform_indices = @transform_6, window_bounds = array<i64: 1, 3, 64>}, {pipeline_mode = #tpu.pipeline_mode<synchronous>, transform_indices = @transform_7, window_bounds = array<i64: 1, 64>}, {pipeline_mode = #tpu.pipeline_mode<synchronous>, transform_indices = @transform_8, window_bounds = array<i64: 1, 64>}, {pipeline_mode = #tpu.pipeline_mode<synchronous>, transform_indices = @transform_9, window_bounds = array<i64: 1, 1>}, {transform_indices = @transform_10, window_bounds = array<i64: 400, 1>}]} {
    %get3A = arith.constant 0 : index
    %get3A_0 = arith.constant 0 : index
    %get3A_1 = vector.load %arg1[%get3A, %get3A_0] : memref<400x128xf32, #tpu.memory_space<vmem>>, vector<400x128xf32>
    %get3A_2 = arith.constant 0 : index
    %get3A_3 = arith.constant 0 : index
    %get3A_4 = vector.load %arg3[%get3A_2, %get3A_3] : memref<400x1xf32, #tpu.memory_space<vmem>>, vector<400x1xf32>
    %neg3A = arith.constant 0.000000e+00 : f32
    %neg3A_5 = vector.broadcast %neg3A : f32 to vector<400x1xf32>
    %neg3A_6 = arith.subf %neg3A_5, %get3A_4 : vector<400x1xf32>
    %get3A_7 = arith.constant 0 : index
    %get3A_8 = arith.constant 0 : index
    %get3A_9 = arith.constant 0 : index
    %get3A_10 = vector.load %arg2[%get3A_7, %get3A_8, %get3A_9] : memref<2x400x64xf32, #tpu.memory_space<vmem>>, vector<1x400x64xf32>
    %get3A_11 = vector.shape_cast %get3A_10 : vector<1x400x64xf32> to vector<400x64xf32>
    %mul3A = vector.broadcast %neg3A_6 : vector<400x1xf32> to vector<400x64xf32>
    %mul3A_12 = arith.mulf %mul3A, %get3A_11 : vector<400x64xf32>
    %neg3A_13 = arith.constant 0.000000e+00 : f32
    %neg3A_14 = vector.broadcast %neg3A_13 : f32 to vector<400x1xf32>
    %neg3A_15 = arith.subf %neg3A_14, %get3A_4 : vector<400x1xf32>
    %get3A_16 = arith.constant 1 : index
    %get3A_17 = arith.constant 0 : index
    %get3A_18 = arith.constant 0 : index
    %get3A_19 = vector.load %arg2[%get3A_16, %get3A_17, %get3A_18] : memref<2x400x64xf32, #tpu.memory_space<vmem>>, vector<1x400x64xf32>
    %get3A_20 = vector.shape_cast %get3A_19 : vector<1x400x64xf32> to vector<400x64xf32>
    %mul3A_21 = vector.broadcast %neg3A_15 : vector<400x1xf32> to vector<400x64xf32>
    %mul3A_22 = arith.mulf %mul3A_21, %get3A_20 : vector<400x64xf32>
    %get3A_23 = arith.constant 0 : index
    %get3A_24 = arith.constant 0 : index
    %get3A_25 = arith.constant 0 : index
    %get3A_26 = vector.load %arg4[%get3A_23, %get3A_24, %get3A_25] : memref<3x128x64xf32, #tpu.memory_space<vmem>>, vector<1x128x64xf32>
    %get3A_27 = vector.shape_cast %get3A_26 : vector<1x128x64xf32> to vector<128x64xf32>
    %dot_general3A = arith.constant dense<0.000000e+00> : vector<400x64xf32>
    %dot_general3A_28 = tpu.matmul %get3A_1, %get3A_27, %dot_general3A {dimension_numbers = #tpu.dot_dimension_numbers<[1], [0], [0], [1], [0, 0, 1, 1], [], []>, transpose_lhs_hint = false} : vector<400x128xf32>, vector<128x64xf32>, vector<400x64xf32> -> vector<400x64xf32>
    %get3A_29 = arith.constant 0 : index
    %get3A_30 = arith.constant 0 : index
    %get3A_31 = arith.constant 0 : index
    %get3A_32 = vector.load %arg5[%get3A_29, %get3A_30, %get3A_31] : memref<3x64x64xf32, #tpu.memory_space<vmem>>, vector<1x64x64xf32>
    %get3A_33 = vector.shape_cast %get3A_32 : vector<1x64x64xf32> to vector<64x64xf32>
    %dot_general3A_34 = arith.constant dense<0.000000e+00> : vector<400x64xf32>
    %dot_general3A_35 = tpu.matmul %mul3A_12, %get3A_33, %dot_general3A_34 {dimension_numbers = #tpu.dot_dimension_numbers<[1], [0], [0], [1], [0, 0, 1, 1], [], []>, transpose_lhs_hint = false} : vector<400x64xf32>, vector<64x64xf32>, vector<400x64xf32> -> vector<400x64xf32>
    %add3A = arith.addf %dot_general3A_28, %dot_general3A_35 : vector<400x64xf32>
    %get3A_36 = arith.constant 0 : index
    %get3A_37 = arith.constant 0 : index
    %get3A_38 = arith.constant 0 : index
    %get3A_39 = vector.load %arg6[%get3A_36, %get3A_37, %get3A_38] : memref<3x64x64xf32, #tpu.memory_space<vmem>>, vector<1x64x64xf32>
    %get3A_40 = vector.shape_cast %get3A_39 : vector<1x64x64xf32> to vector<64x64xf32>
    %dot_general3A_41 = arith.constant dense<0.000000e+00> : vector<400x64xf32>
    %dot_general3A_42 = tpu.matmul %mul3A_22, %get3A_40, %dot_general3A_41 {dimension_numbers = #tpu.dot_dimension_numbers<[1], [0], [0], [1], [0, 0, 1, 1], [], []>, transpose_lhs_hint = false} : vector<400x64xf32>, vector<64x64xf32>, vector<400x64xf32> -> vector<400x64xf32>
    %add3A_43 = arith.addf %add3A, %dot_general3A_42 : vector<400x64xf32>
    %get3A_44 = arith.constant 0 : index
    %get3A_45 = arith.constant 0 : index
    %get3A_46 = arith.constant 0 : index
    %get3A_47 = vector.load %arg7[%get3A_44, %get3A_45, %get3A_46] : memref<1x3x64xf32, #tpu.memory_space<vmem>>, vector<1x1x64xf32>
    %get3A_48 = vector.shape_cast %get3A_47 : vector<1x1x64xf32> to vector<64xf32>
    %broadcast_in_dim3A = vector.shape_cast %get3A_48 : vector<64xf32> to vector<1x64xf32>
    %add3A_49 = vector.broadcast %broadcast_in_dim3A : vector<1x64xf32> to vector<400x64xf32>
    %add3A_50 = arith.addf %add3A_43, %add3A_49 : vector<400x64xf32>
    %get3A_51 = arith.constant 1 : index
    %get3A_52 = arith.constant 0 : index
    %get3A_53 = arith.constant 0 : index
    %get3A_54 = vector.load %arg4[%get3A_51, %get3A_52, %get3A_53] : memref<3x128x64xf32, #tpu.memory_space<vmem>>, vector<1x128x64xf32>
    %get3A_55 = vector.shape_cast %get3A_54 : vector<1x128x64xf32> to vector<128x64xf32>
    %dot_general3A_56 = arith.constant dense<0.000000e+00> : vector<400x64xf32>
    %dot_general3A_57 = tpu.matmul %get3A_1, %get3A_55, %dot_general3A_56 {dimension_numbers = #tpu.dot_dimension_numbers<[1], [0], [0], [1], [0, 0, 1, 1], [], []>, transpose_lhs_hint = false} : vector<400x128xf32>, vector<128x64xf32>, vector<400x64xf32> -> vector<400x64xf32>
    %get3A_58 = arith.constant 1 : index
    %get3A_59 = arith.constant 0 : index
    %get3A_60 = arith.constant 0 : index
    %get3A_61 = vector.load %arg5[%get3A_58, %get3A_59, %get3A_60] : memref<3x64x64xf32, #tpu.memory_space<vmem>>, vector<1x64x64xf32>
    %get3A_62 = vector.shape_cast %get3A_61 : vector<1x64x64xf32> to vector<64x64xf32>
    %dot_general3A_63 = arith.constant dense<0.000000e+00> : vector<400x64xf32>
    %dot_general3A_64 = tpu.matmul %mul3A_12, %get3A_62, %dot_general3A_63 {dimension_numbers = #tpu.dot_dimension_numbers<[1], [0], [0], [1], [0, 0, 1, 1], [], []>, transpose_lhs_hint = false} : vector<400x64xf32>, vector<64x64xf32>, vector<400x64xf32> -> vector<400x64xf32>
    %add3A_65 = arith.addf %dot_general3A_57, %dot_general3A_64 : vector<400x64xf32>
    %get3A_66 = arith.constant 1 : index
    %get3A_67 = arith.constant 0 : index
    %get3A_68 = arith.constant 0 : index
    %get3A_69 = vector.load %arg6[%get3A_66, %get3A_67, %get3A_68] : memref<3x64x64xf32, #tpu.memory_space<vmem>>, vector<1x64x64xf32>
    %get3A_70 = vector.shape_cast %get3A_69 : vector<1x64x64xf32> to vector<64x64xf32>
    %dot_general3A_71 = arith.constant dense<0.000000e+00> : vector<400x64xf32>
    %dot_general3A_72 = tpu.matmul %mul3A_22, %get3A_70, %dot_general3A_71 {dimension_numbers = #tpu.dot_dimension_numbers<[1], [0], [0], [1], [0, 0, 1, 1], [], []>, transpose_lhs_hint = false} : vector<400x64xf32>, vector<64x64xf32>, vector<400x64xf32> -> vector<400x64xf32>
    %add3A_73 = arith.addf %add3A_65, %dot_general3A_72 : vector<400x64xf32>
    %get3A_74 = arith.constant 0 : index
    %get3A_75 = arith.constant 1 : index
    %get3A_76 = arith.constant 0 : index
    %get3A_77 = vector.load %arg7[%get3A_74, %get3A_75, %get3A_76] : memref<1x3x64xf32, #tpu.memory_space<vmem>>, vector<1x1x64xf32>
    %get3A_78 = vector.shape_cast %get3A_77 : vector<1x1x64xf32> to vector<64xf32>
    %broadcast_in_dim3A_79 = vector.shape_cast %get3A_78 : vector<64xf32> to vector<1x64xf32>
    %add3A_80 = vector.broadcast %broadcast_in_dim3A_79 : vector<1x64xf32> to vector<400x64xf32>
    %add3A_81 = arith.addf %add3A_73, %add3A_80 : vector<400x64xf32>
    %get3A_82 = arith.constant 2 : index
    %get3A_83 = arith.constant 0 : index
    %get3A_84 = arith.constant 0 : index
    %get3A_85 = vector.load %arg4[%get3A_82, %get3A_83, %get3A_84] : memref<3x128x64xf32, #tpu.memory_space<vmem>>, vector<1x128x64xf32>
    %get3A_86 = vector.shape_cast %get3A_85 : vector<1x128x64xf32> to vector<128x64xf32>
    %dot_general3A_87 = arith.constant dense<0.000000e+00> : vector<400x64xf32>
    %dot_general3A_88 = tpu.matmul %get3A_1, %get3A_86, %dot_general3A_87 {dimension_numbers = #tpu.dot_dimension_numbers<[1], [0], [0], [1], [0, 0, 1, 1], [], []>, transpose_lhs_hint = false} : vector<400x128xf32>, vector<128x64xf32>, vector<400x64xf32> -> vector<400x64xf32>
    %get3A_89 = arith.constant 2 : index
    %get3A_90 = arith.constant 0 : index
    %get3A_91 = arith.constant 0 : index
    %get3A_92 = vector.load %arg5[%get3A_89, %get3A_90, %get3A_91] : memref<3x64x64xf32, #tpu.memory_space<vmem>>, vector<1x64x64xf32>
    %get3A_93 = vector.shape_cast %get3A_92 : vector<1x64x64xf32> to vector<64x64xf32>
    %dot_general3A_94 = arith.constant dense<0.000000e+00> : vector<400x64xf32>
    %dot_general3A_95 = tpu.matmul %mul3A_12, %get3A_93, %dot_general3A_94 {dimension_numbers = #tpu.dot_dimension_numbers<[1], [0], [0], [1], [0, 0, 1, 1], [], []>, transpose_lhs_hint = false} : vector<400x64xf32>, vector<64x64xf32>, vector<400x64xf32> -> vector<400x64xf32>
    %add3A_96 = arith.addf %dot_general3A_88, %dot_general3A_95 : vector<400x64xf32>
    %get3A_97 = arith.constant 2 : index
    %get3A_98 = arith.constant 0 : index
    %get3A_99 = arith.constant 0 : index
    %get3A_100 = vector.load %arg6[%get3A_97, %get3A_98, %get3A_99] : memref<3x64x64xf32, #tpu.memory_space<vmem>>, vector<1x64x64xf32>
    %get3A_101 = vector.shape_cast %get3A_100 : vector<1x64x64xf32> to vector<64x64xf32>
    %dot_general3A_102 = arith.constant dense<0.000000e+00> : vector<400x64xf32>
    %dot_general3A_103 = tpu.matmul %mul3A_22, %get3A_101, %dot_general3A_102 {dimension_numbers = #tpu.dot_dimension_numbers<[1], [0], [0], [1], [0, 0, 1, 1], [], []>, transpose_lhs_hint = false} : vector<400x64xf32>, vector<64x64xf32>, vector<400x64xf32> -> vector<400x64xf32>
    %add3A_104 = arith.addf %add3A_96, %dot_general3A_103 : vector<400x64xf32>
    %get3A_105 = arith.constant 0 : index
    %get3A_106 = arith.constant 2 : index
    %get3A_107 = arith.constant 0 : index
    %get3A_108 = vector.load %arg7[%get3A_105, %get3A_106, %get3A_107] : memref<1x3x64xf32, #tpu.memory_space<vmem>>, vector<1x1x64xf32>
    %get3A_109 = vector.shape_cast %get3A_108 : vector<1x1x64xf32> to vector<64xf32>
    %broadcast_in_dim3A_110 = vector.shape_cast %get3A_109 : vector<64xf32> to vector<1x64xf32>
    %add3A_111 = vector.broadcast %broadcast_in_dim3A_110 : vector<1x64xf32> to vector<400x64xf32>
    %add3A_112 = arith.addf %add3A_104, %add3A_111 : vector<400x64xf32>
    %logistic3A = arith.negf %add3A_50 : vector<400x64xf32>
    %logistic3A_113 = math.exp %logistic3A : vector<400x64xf32>
    %logistic3A_114 = arith.constant 1.000000e+00 : f32
    %logistic3A_115 = vector.broadcast %logistic3A_114 : f32 to vector<400x64xf32>
    %logistic3A_116 = arith.addf %logistic3A_115, %logistic3A_113 : vector<400x64xf32>
    %logistic3A_117 = arith.divf %logistic3A_115, %logistic3A_116 : vector<400x64xf32>
    %tanh3A = math.tanh %add3A_81 : vector<400x64xf32>
    %mul3A_118 = arith.mulf %logistic3A_117, %tanh3A : vector<400x64xf32>
    %get3A_119 = arith.constant 0 : index
    %get3A_120 = arith.constant 0 : index
    %get3A_121 = vector.load %arg8[%get3A_119, %get3A_120] : memref<1x64xf32, #tpu.memory_space<vmem>>, vector<1x64xf32>
    %mul3A_122 = vector.broadcast %get3A_121 : vector<1x64xf32> to vector<400x64xf32>
    %mul3A_123 = arith.mulf %mul3A_122, %mul3A_118 : vector<400x64xf32>
    %add3A_124 = arith.addf %add3A_112, %mul3A_123 : vector<400x64xf32>
    %logistic3A_125 = arith.negf %add3A_124 : vector<400x64xf32>
    %logistic3A_126 = math.exp %logistic3A_125 : vector<400x64xf32>
    %logistic3A_127 = arith.constant 1.000000e+00 : f32
    %logistic3A_128 = vector.broadcast %logistic3A_127 : f32 to vector<400x64xf32>
    %logistic3A_129 = arith.addf %logistic3A_128, %logistic3A_126 : vector<400x64xf32>
    %logistic3A_130 = arith.divf %logistic3A_128, %logistic3A_129 : vector<400x64xf32>
    %tanh3A_131 = math.tanh %mul3A_118 : vector<400x64xf32>
    %mul3A_132 = arith.mulf %logistic3A_130, %tanh3A_131 : vector<400x64xf32>
    %get3A_133 = arith.constant 0 : index
    %get3A_134 = arith.constant 0 : index
    %get3A_135 = vector.load %arg9[%get3A_133, %get3A_134] : memref<1x64xf32, #tpu.memory_space<vmem>>, vector<1x64xf32>
    %mul3A_136 = vector.broadcast %get3A_135 : vector<1x64xf32> to vector<400x64xf32>
    %mul3A_137 = arith.mulf %mul3A_132, %mul3A_136 : vector<400x64xf32>
    %reduce_sum3A = arith.constant dense<0.000000e+00> : vector<400xf32>
    %reduce_sum3A_138 = vector.multi_reduction <add>, %mul3A_137, %reduce_sum3A [1] : vector<400x64xf32> to vector<400xf32>
    %broadcast_in_dim3A_139 = vector.shape_cast %reduce_sum3A_138 : vector<400xf32> to vector<400x1xf32>
    %get3A_140 = arith.constant 0 : index
    %get3A_141 = arith.constant 0 : index
    %get3A_142 = vector.load %arg10[%get3A_140, %get3A_141] : memref<1x1xf32, #tpu.memory_space<vmem>>, vector<1x1xf32>
    %add3A_143 = vector.broadcast %get3A_142 : vector<1x1xf32> to vector<400x1xf32>
    %add3A_144 = arith.addf %broadcast_in_dim3A_139, %add3A_143 : vector<400x1xf32>
    %logistic3A_145 = arith.negf %add3A_144 : vector<400x1xf32>
    %logistic3A_146 = math.exp %logistic3A_145 : vector<400x1xf32>
    %logistic3A_147 = arith.constant 1.000000e+00 : f32
    %logistic3A_148 = vector.broadcast %logistic3A_147 : f32 to vector<400x1xf32>
    %logistic3A_149 = arith.addf %logistic3A_148, %logistic3A_146 : vector<400x1xf32>
    %logistic3A_150 = arith.divf %logistic3A_148, %logistic3A_149 : vector<400x1xf32>
    %swap3A = arith.constant 0 : index
    %swap3A_151 = arith.constant 0 : index
    %swap3A_152 = vector.load %arg11[%swap3A, %swap3A_151] : memref<400x1xf32, #tpu.memory_space<vmem>>, vector<400x1xf32>
    tpu.vector_store %arg11[%swap3A, %swap3A_151], %logistic3A_150 {strides = array<i32>} : memref<400x1xf32, #tpu.memory_space<vmem>>, vector<400x1xf32>,
    return
  }
  func.func @transform_0(%arg0: i32) -> (i32, i32) {
    %c0_i32 = arith.constant 0 : i32
    %c0_i32_0 = arith.constant 0 : i32
    return %arg0, %c0_i32 : i32, i32
  }
  func.func @transform_1(%arg0: i32) -> (i32, i32, i32) {
    %c0_i32 = arith.constant 0 : i32
    %c0_i32_0 = arith.constant 0 : i32
    %c0_i32_1 = arith.constant 0 : i32
    return %c0_i32, %arg0, %c0_i32_0 : i32, i32, i32
  }
  func.func @transform_2(%arg0: i32) -> (i32, i32) {
    %c0_i32 = arith.constant 0 : i32
    %c0_i32_0 = arith.constant 0 : i32
    return %arg0, %c0_i32 : i32, i32
  }
  func.func @transform_3(%arg0: i32) -> (i32, i32, i32) {
    %c0_i32 = arith.constant 0 : i32
    %c0_i32_0 = arith.constant 0 : i32
    %c0_i32_1 = arith.constant 0 : i32
    %c0_i32_2 = arith.constant 0 : i32
    return %c0_i32, %c0_i32_0, %c0_i32_1 : i32, i32, i32
  }
  func.func @transform_4(%arg0: i32) -> (i32, i32, i32) {
    %c0_i32 = arith.constant 0 : i32
    %c0_i32_0 = arith.constant 0 : i32
    %c0_i32_1 = arith.constant 0 : i32
    %c0_i32_2 = arith.constant 0 : i32
    return %c0_i32, %c0_i32_0, %c0_i32_1 : i32, i32, i32
  }
  func.func @transform_5(%arg0: i32) -> (i32, i32, i32) {
    %c0_i32 = arith.constant 0 : i32
    %c0_i32_0 = arith.constant 0 : i32
    %c0_i32_1 = arith.constant 0 : i32
    %c0_i32_2 = arith.constant 0 : i32
    return %c0_i32, %c0_i32_0, %c0_i32_1 : i32, i32, i32
  }
  func.func @transform_6(%arg0: i32) -> (i32, i32, i32) {
    %c0_i32 = arith.constant 0 : i32
    %c0_i32_0 = arith.constant 0 : i32
    %c0_i32_1 = arith.constant 0 : i32
    %c0_i32_2 = arith.constant 0 : i32
    return %c0_i32, %c0_i32_0, %c0_i32_1 : i32, i32, i32
  }
  func.func @transform_7(%arg0: i32) -> (i32, i32) {
    %c0_i32 = arith.constant 0 : i32
    %c0_i32_0 = arith.constant 0 : i32
    %c0_i32_1 = arith.constant 0 : i32
    return %c0_i32, %c0_i32_0 : i32, i32
  }
  func.func @transform_8(%arg0: i32) -> (i32, i32) {
    %c0_i32 = arith.constant 0 : i32
    %c0_i32_0 = arith.constant 0 : i32
    %c0_i32_1 = arith.constant 0 : i32
    return %c0_i32, %c0_i32_0 : i32, i32
  }
  func.func @transform_9(%arg0: i32) -> (i32, i32) {
    %c0_i32 = arith.constant 0 : i32
    %c0_i32_0 = arith.constant 0 : i32
    %c0_i32_1 = arith.constant 0 : i32
    return %c0_i32, %c0_i32_0 : i32, i32
  }
  func.func @transform_10(%arg0: i32) -> (i32, i32) {
    %c0_i32 = arith.constant 0 : i32
    %c0_i32_0 = arith.constant 0 : i32
    return %arg0, %c0_i32 : i32, i32
  }
}

</mosaic_0001>

<sc_bundles>
// kernel: kernel.6.cloned.1.call-start
scs
__scs_entry_jumppad:
0x0: {  	(pc) =	sbr.rel $0x88, $3  }
0x1: {  	(tag) =	ssettag $0x0;
	lr =	simm.s32 $0x1  }
0x2: {  	[smem:$0x3F98] =	sst lr;
	_ =	strace $0xD0000000  }
0x3: {  	_ = 	snop  }
0x4: {  	_ = 	snop  }
0x5: {  	_ = 	snop  }
0x6: {  	_ = 	snop  }
0x7: {  	_ = 	snop  }
__scs_overlays_trampoline_lowered:
0x8: {  	[smem:$0x3FA7] =	sst s0  }
0x9: {  	[smem:$0x3FA8] =	sst s1  }
0xa: {  	[smem:$0x3FA9] =	sst s2  }
0xb: {  	[smem:$0x3FAA] =	sst s3  }
0xc: {  	[smem:$0x3FAB] =	sst s4  }
0xd: {  	[smem:$0x3FAC] =	sst s5  }
0xe: {  	[smem:$0x3FAD] =	sst s6  }
0xf: {  	[smem:$0x3FAE] =	sst s7  }
0x10: {  	[smem:$0x3FAF] =	sst s8  }
0x11: {  	[smem:$0x3FB0] =	sst s9;
	s0 =	simm.s32 @!p0 $0x0  }
0x12: {  	s1 =	sld [smem:$0x3F96];
	s0 =	simm.s32 @p0 $0x1  }
0x13: {  	[smem:$0x3FB1] =	sst s0;
	s0 =	simm.s32 @!p1 $0x0  }
0x14: {  	s2 =	sld [smem:$0x3F95];
	s0 =	simm.s32 @p1 $0x1  }
0x15: {  	[smem:$0x3FB2] =	sst s0;
	s0 =	simm.s32 @!p2 $0x0  }
0x16: {  	s3 =	sld [smem:$0x3FDB];
	s0 =	simm.s32 @p2 $0x1  }
0x17: {  	s4 =	simm.s32 $0x1BF5;
	[smem:$0x3FB4] =	sst s0  }
0x18: {  	s0 =	sld [smem:$0x3F97];
	_ =	swait.ge [sflag:s4], $0x0  }
0x19: {  	s7 =	sld [smem:$0x3F98]  }
0x1a: {  	s8 =	sadd.s32 $0xFFFFE003, lr  }
0x1b: {  	s9 =	sadd.s32 $0xFFFFFEF7, lr;
	s5 =	simm.s32 $0xFFFFFFFF;
	p2 =	slt.u32 s8, $0xFFFFF086  }
0x1c: {  	p1 =	slt.u32 s9, $0xF7A;
	s5 =	simm.s32 @!p2 $0x0  }
0x1d: {  	s5 =	simm.s32 @p1 $0x1;
	p0 =	seq.s32 s7, s2  }
0x1e: {  	s7 =	smul.u32 @!p0 $0xF7A, s2;
	p2 =	seq.s32 @!p0 s5, $0x0  }
0x1f: {  	s9 =	smul.u32 $0xF7A, s1;
	s8 =	simm.s32 @!p0 $0x1BF5;
	p2 =	por !p2, p0  }
0x20: {  	[sflag:s8] =	ssyncset.s32 @!p0 $0xFFFFF086;
	s6 =	sadd.s32 @!p0 s3, s7;
	s7 =	simm.s32 @!p0 $0x108  }
0x21: {  	s3 =	sadd.s32 s3, s9;
	s6 =	sadd.s32 @!p0 $0x88, s6;
	s7 =	simm.s32 @p2 $0x1082  }
0x22: {  	[simem:s7], [sflag:s8] =	dma.local @!p0 [hbm:s6], $0xF7A  }
0x23: {  	s9 =	sor.u32 $0xD0000000, s2;
	s6 =	simm.s32 $0x108;
	_ =	swait.ge @!p0 [sflag:s8], $0x0  }
0x24: {  	s3 =	sadd.s32 $0x88, s3;
	s6 =	simm.s32 @!p1 $0x1082;
	[sflag:s4] =	ssyncset.s32 $0xFFFFF086  }
0x25: {  	[simem:s6], [sflag:s4] =	dma.local [hbm:s3], $0xF7A  }
0x26: {  	[smem:$0x3F98] =	sst s1;
	(tag) =	ssettag s2;
	_ =	strace s9  }
0x27: {  	s1 =	sld [smem:$0x3FA8]  }
0x28: {  	s2 =	sld [smem:$0x3FA9]  }
0x29: {  	s4 =	sld [smem:$0x3FAB]  }
0x2a: {  	p0 =	seq.s32 s5, $0x0;
	s5 =	sld [smem:$0x3FAC]  }
0x2b: {  	s6 =	sld [smem:$0x3FAD]  }
0x2c: {  	s7 =	sld [smem:$0x3FAE]  }
0x2d: {  	s3 =	simm.s32 $0x108;
	s8 =	sld [smem:$0x3FAF]  }
0x2e: {  	s3 =	simm.s32 @!p0 $0x1082;
	s9 =	sld [smem:$0x3FB0]  }
0x2f: {  	lr =	sadd.s32 s0, s3;
	s0 =	sld [smem:$0x3FA7]  }
0x30: {  	s3 =	sld [smem:$0x3FAA]  }
0x31: {  	[smem:$0x3FB3] =	sst s10  }
0x32: {  	s10 =	sld [smem:$0x3FB1];
	_ =	sdelay $0x3  }
0x33: {  	p0 =	seq.s32 s10, $0x1;
	s10 =	sld [smem:$0x3FB3];
	_ =	sdelay $0x3  }
0x34: {  	[smem:$0x3FB3] =	sst s10  }
0x35: {  	s10 =	sld [smem:$0x3FB2];
	_ =	sdelay $0x3  }
0x36: {  	p1 =	seq.s32 s10, $0x1;
	s10 =	sld [smem:$0x3FB3];
	_ =	sdelay $0x3  }
0x37: {  	[smem:$0x3FB3] =	sst s10  }
0x38: {  	s10 =	sld [smem:$0x3FB4]  }
0x39: {  	_ = 	snop;
	(pc) =	sbr.ind lr, $3  }
0x3a: {  	_ = 	snop  }
0x3b: {  	_ = 	snop  }
0x3c: {  	p2 =	seq.s32 s10, $0x1;
	s10 =	sld [smem:$0x3FB3]  }
0x3d: {  	_ =	shalt  }
0x3e: {  	_ =	shalt  }
0x3f: {  	_ =	shalt  }
0x40: {  	_ =	shalt  }
0x41: {  	_ =	shalt  }
0x42: {  	_ =	shalt  }
0x43: {  	_ =	shalt  }
0x44: {  	_ =	shalt  }
0x45: {  	_ =	shalt  }
0x46: {  	_ =	shalt  }
0x47: {  	_ =	shalt  }
0x48: {  	_ =	shalt  }
0x49: {  	_ =	shalt  }
0x4a: {  	_ =	shalt  }
0x4b: {  	_ =	shalt  }
0x4c: {  	_ =	shalt  }
0x4d: {  	_ =	shalt  }
0x4e: {  	_ =	shalt  }
0x4f: {  	_ =	shalt  }
0x50: {  	_ =	shalt  }
0x51: {  	_ =	shalt  }
0x52: {  	_ =	shalt  }
0x53: {  	_ =	shalt  }
0x54: {  	_ =	shalt  }
0x55: {  	_ =	shalt  }
0x56: {  	_ =	shalt  }
0x57: {  	_ =	shalt  }
0x58: {  	_ =	shalt  }
0x59: {  	_ =	shalt  }
0x5a: {  	_ =	shalt  }
0x5b: {  	_ =	shalt  }
0x5c: {  	_ =	shalt  }
0x5d: {  	_ =	shalt  }
0x5e: {  	_ =	shalt  }
0x5f: {  	_ =	shalt  }
0x60: {  	_ =	shalt  }
0x61: {  	_ =	shalt  }
0x62: {  	_ =	shalt  }
0x63: {  	_ =	shalt  }
0x64: {  	_ =	shalt  }
0x65: {  	_ =	shalt  }
0x66: {  	_ =	shalt  }
0x67: {  	_ =	shalt  }
0x68: {  	_ =	shalt  }
0x69: {  	_ =	shalt  }
0x6a: {  	_ =	shalt  }
0x6b: {  	_ =	shalt  }
0x6c: {  	_ =	shalt  }
0x6d: {  	_ =	shalt  }
0x6e: {  	_ =	shalt  }
0x6f: {  	_ =	shalt  }
0x70: {  	_ =	shalt  }
0x71: {  	_ =	shalt  }
0x72: {  	_ =	shalt  }
0x73: {  	_ =	shalt  }
0x74: {  	_ =	shalt  }
0x75: {  	_ =	shalt  }
0x76: {  	_ =	shalt  }
0x77: {  	_ =	shalt  }
0x78: {  	_ =	shalt  }
0x79: {  	_ =	shalt  }
0x7a: {  	_ =	shalt  }
0x7b: {  	_ =	shalt  }
0x7c: {  	_ =	shalt  }
0x7d: {  	_ =	shalt  }
0x7e: {  	_ =	shalt  }
0x7f: {  	_ =	shalt  }
0x80: {  	_ =	shalt  }
0x81: {  	_ =	shalt  }
0x82: {  	_ =	shalt  }
0x83: {  	_ =	shalt  }
0x84: {  	_ =	shalt  }
0x85: {  	_ =	shalt  }
0x86: {  	_ =	shalt  }
0x87: {  	_ =	shalt  }
.Lfunc_end0:
.L_simem_size_0:
called_computation_lowered:
.L_overlay_start_0:
0x88: {  	s2 =	sld [smem:$0x3FD9]  }
0x89: {  	s3 =	sld [smem:$0x3FFE];
	_ =	sdelay $0x1  }
0x8a: {  	s1 =	srdreg.scid  }
0x8b: {  	s0 =	sand.u32 $0x1, s1  }
0x8c: {  	s17 =	sshll.u32 s0, $0xA;
	s2 =	sadd.s32 s3, s2  }
0x8d: {  	s2 =	sadd.s32 s2, s17  }
0x8e: {  	[smem:$0x3FBF] =	sst s2  }
0x8f: {  	_ = 	snop  }
0x90: {  	s2 =	sld [smem:$0x3FD0];
	(tm) =	ssettm $0x1  }
0x91: {  	s18 =	sld [smem:$0x3FFB];
	_ =	sdelay $0x3  }
0x92: {  	_ =	strace s18  }
0x93: {  	s3 =	sld [smem:$0x3FFC];
	_ =	sdelay $0x3  }
0x94: {  	_ =	strace s3  }
0x95: {  	s3 =	sld [smem:$0x3FFD];
	_ =	sdelay $0x3  }
0x96: {  	_ =	strace s3  }
0x97: {  	_ =	strace $0x8FFFFFFF  }
0x98: {  	s19 =	sld [smem:$0x3FDB];
	_ =	sdelay $0x1  }
0x99: {  	s4 =	simm.s32 $_scs_section_size  }
0x9a: {  	s5 =	simm.s32 $_size__tile_overlayer_lowered;
	s6 =	simm.s32 $_tile_overlayer_lowered  }
0x9b: {  	s22 =	simm.s32 $0x1BFF;
	s21 =	sshll.u32 s6, $0x1;
	s3 =	sadd.s32 s4, s19  }
0x9c: {  	s7 =	simm.s32 $0x0;
	s20 =	sshll.u32 s5, $0x1;
	s5 =	sadd.s32 s21, s3  }
0x9d: {  	[timem:s7], [sflag:s22] =	dma.local [hbm:s5], s20  }
0x9e: {  	_ =	swait.ge [sflag:s22], s20  }
0x9f: {  	s4 =	ssub.s32 $0x0, s20;
	[sflag:s22] =	ssyncset.done $0x0  }
0xa0: {  	[sflag:s22] =	ssyncadd.s32 s4;
	_ =	sdelay $0x1  }
0xa1: {  	s23 =	simm.s32 $0x1B8B  }
0xa2: {  	_ =	swait.ge [sflag:s23], $0x1  }
0xa3: {  	[sflag:s23] =	ssyncset.done $0x0  }
0xa4: {  	s25 =	simm.s32 $0x1B8E;
	s24 =	sld [smem:$0x3FFE];
	[sflag:s23] =	ssyncadd.s32 $0xFFFFFFFF  }
0xa5: {  	s26 =	simm.s32 $execute0_lowered;
	[smem:$0x3FD2] =	sst s25  }
0xa6: {  	s5 =	sshll.u32 s26, $0x1;
	_ =	strace $0x80000046;
	[dreg:$0x1] =	wrdreg $0xFFFFFFFF  }
0xa7: {  	s28 =	simm.s32 $_size_execute0_lowered;
	s3 =	sadd.s32 s3, s5;
	[dreg:$0x0] =	wrdreg $0x0  }
0xa8: {  	s5 =	sshll.u32 s28, $0x1;
	[dreg:$0x2] =	wrdreg s3  }
0xa9: {  	[dreg:$0x3] =	wrdreg s5  }
0xaa: {  	[dreg:$0x4] =	wrdreg $0xC0  }
0xab: {  	_ =	task [dreg:s7], $0x5FFFF  }
0xac: {  	[dreg:$0x1] =	wrdreg $0xFFFFFFFF  }
0xad: {  	[dreg:$0x0] =	wrdreg $0x60  }
0xae: {  	[dreg:$0x2] =	wrdreg s24  }
0xaf: {  	[dreg:$0x3] =	wrdreg s2  }
0xb0: {  	[dreg:$0x4] =	wrdreg $0x28800  }
0xb1: {  	[dreg:$0x5] =	wrdreg $0x9  }
0xb2: {  	_ =	task.clear_ibuf [dreg:s7], $0x6FFFF;
	_ =	strace $0x90000046  }
0xb3: {  	s29 =	simm.s32 $0x9;
	_ =	strace $0x80000048  }
0xb4: {  	_ =	swait.ge [sflag:s29], $0x1  }
0xb5: {  	[sflag:s29] =	ssyncadd.s32 $0xFFFFFFFF  }
0xb6: {  	_ =	strace $0x90000048  }
0xb7: {  	_ =	sfence  }
0xb8: {  	s30 =	sld [smem:$0x0];
	_ =	sdelay $0x2  }
0xb9: {  	s31 =	sshll.u32 s1, $0xD;
	s1 =	sshrl.u32 s1, $0x2  }
0xba: {  	s3 =	sand.u32 $0x4000, s31;
	s1 =	sadd.s32 s1, s30  }
0xbb: {  	s0 =	sor.u32 s3, s0;
	s1 =	sshll.u32 s1, $0x11  }
0xbc: {  	s0 =	sor.u32 s1, s0  }
0xbd: {  	s0 =	sadd.s32 $0x8F2B, s0  }
0xbe: {  	[sflag:s0] =	ssyncadd.remote.s32 $0x1  }
0xbf: {  	_ =	sfence.sel $0xFFFF  }
0xc0: {  	[dreg:$0x0] =	wrdreg $0xFFFFFFFF;
	(pc) =	sbr.abs _section_cstart, $3  }
0xc1: {  	[dreg:$0x1] =	wrdreg $0xFFFFFFFF  }
0xc2: {  	_ =	task.clear_ibuf [dreg:s7], $0x2FFFF;
	_ =	strace $0x9FFFFFFF  }
0xc3: {  	(tm) =	ssettm $0x7FFFFFFF  }
tec
execute0_lowered:
.L_overlay_start_1:
0x0: {  	(tag) =	ssettag $0x1  }
0x1: {  	s6 =	rddreg [dreg:$0x0]  }
0x2: {  	s2 =	rddreg [dreg:$0x1];
	s1 =	srdreg.scid  }
0x3: {  	s0 =	stileid.u32;
	s3 =	rddreg [dreg:$0x2]  }
0x4: {  	s4 =	simm.s32 $0x0;
	s13 =	simm.s32 $0x80;
	s14 =	simm.s32 $0x20  }
0x5: {  	s15 =	simm.s32 $0x10;
	s16 =	simm.s32 $0x0;
	s7 =	sand.u32 $0x1, s1  }
0x6: {  	s5 =	sshll.u32 s0, $0x1;
	s1 =	rddreg [dreg:$0x3];
	s8 =	smul.u32 $0x500, s0  }
0x7: {  	[smem:$0x7FF] =	sst s4;
	s11 =	smul.u32 $0xA00, s0;
	s31 =	sshll.u32 s0, $0x6  }
0x8: {  	s5 =	sor.u32 s7, s5;
	_ =	strace $0x80000047;
	s10 =	sshll.u32 s7, $0x7  }
0x9: {  	s7 =	ssub.s32 $0x2, s7;
	s5 =	smul.u32 $0x500, s5;
	s8 =	sor.u32 s10, s8  }
0xa: {  	s30 =	sshrl.u32 s7, $0x1;
	s11 =	sshrl.u32 s11, $0x2;
	s8 =	sshrl.u32 s8, $0x3  }
0xb: {  	s10 =	ssub.s32 s7, s30;
	s12 =	sadd.s32 s11, s3;
	s11 =	sor.u32 $0x1C01, s31  }
0xc: {  	s9 =	sadd.s32 s5, s6;
	s5 =	sadd.s32 $0xBC00, s6;
	s8 =	sadd.s32 s8, s6  }
0xd: {  	s12 =	sshrl.u32 s12, $0x3;
	s6 =	sadd.s32 $0x1C00, s9;
	s7 =	sadd.s32 $0xBE00, s8  }
0xe: {  	s8 =	smax.u32 s10, $0x1;
	s9 =	simm.s32 $0x2800;
	s10 =	simm.s32 $0x1  }
.LBB2_1:
0xf: {  	[tilespmem:s9], [sflag:$0x1] =	stream.linear.gather [hbm4b:s5+s4], $0x80, $0x38;
	[tilespmem:$0x2B00] =	vst v63  }
0x10: {  	_ =	swait.ge [sflag:s10], $0x80  }
0x11: {  	[sflag:s10] =	ssyncset.done $0x0  }
0x12: {  	[sflag:s10] =	ssyncadd.s32 $0xFFFFFF80  }
0x13: {  	[spmem:s12], [sflag:s11] =	dma.local [hbm:s2], $0x50  }
0x14: {  	_ =	swait.ge [sflag:s10], $0x50  }
0x15: {  	[sflag:s10] =	ssyncset.done $0x0  }
0x16: {  	[sflag:s10] =	ssyncadd.s32 $0xFFFFFFB0  }
0x17: {  	[tilespmem:s4], [sflag:$0x1] =	stream.linear.gather [hbm4b:s6+s4], $0x2800, $0x38;
	[tilespmem:$0x2B00] =	vst v63  }
0x18: {  	_ =	swait.ge [sflag:s10], $0x2800  }
0x19: {  	[sflag:s10] =	ssyncset.done $0x0  }
0x1a: {  	[sflag:s10] =	ssyncadd.s32 $0xFFFFD800  }
0x1b: {  	s17 =	simm.s32 $0x0;
	[bflag:$0x0] =	sbarrier.arrive $0xFFFF  }
0x1c: {  	[spmem:s3] =	stream.indirect.scatter.add.f32 [tilespmem:s9], [sflag:$0x1], $0x1, s17, s13, $0xb8;
	[tilespmem:$0x2B00] =	vst v63  }
0x1d: {  	_ =	swait.ge [sflag:s10], $0x80  }
0x1e: {  	s17 =	simm.s32 $0x200;
	[sflag:s10] =	ssyncset.done $0x0  }
.LBB2_2:
0x1f: {  	s18 =	sshra.s32 s17, $0x2;
	[sflag:s10] =	ssyncadd.s32 $0xFFFFFF80;
	p0 =	sne.s32 s17, $0x9E00  }
0x20: {  	[spmem:s3] =	stream.indirect.scatter.add.f32 [tilespmem:s9], [sflag:$0x1], $0x1, s18, s13, $0xb8;
	[tilespmem:$0x2B00] =	vst v63  }
.Ltmp0:
0x21: {  	_ = 	snop;
	(pc) =	sbr.rel @p0 .LBB2_2-.Ltmp0, $4  }
0x22: {  	_ = 	snop  }
0x23: {  	s17 =	sadd.s32 $0x200, s17  }
0x24: {  	_ =	swait.ge [sflag:s10], $0x80  }
0x25: {  	[sflag:s10] =	ssyncset.done $0x0  }
0x26: {  	s16 =	sadd.s32 $0x1, s16  }
0x27: {  	[sflag:s10] =	ssyncadd.s32 $0xFFFFFF80;
	p0 =	sne.s32 s16, s8  }
.Ltmp1:
0x28: {  	[bflag:$0x0] =	sbarrier.arrive $0xFFFF;
	(pc) =	sbr.rel @p0 .LBB2_1-.Ltmp1, $4  }
0x29: {  	[hbm:s7@s14], [sflag:s11] =	dma.strided [spmem:s12@s15], $0x50, s10, $0x10   }
0x2a: {  	_ =	swait.ge [sflag:s10], $0x50  }
0x2b: {  	[sflag:s10] =	ssyncset.done $0x0  }
0x2c: {  	[sflag:s10] =	ssyncadd.s32 $0xFFFFFFB0  }
0x2d: {  	_ =	sfence.sel $0x180000  }
0x2e: {  	[bflag:$0x0] =	sbarrier.arrive $0xFFFF  }
0x2f: {  	p0 =	sne.s32 s0, $0x0;
	_ =	strace $0x90000047  }
0x30: {  	s0 =	sadd.s32 @!p0 $0x100000, s1;
	[bflag:$0x2] =	sbarrier.arrive $0xFFFF  }
0x31: {  	[sflag:s0] =	ssyncadd.tile.s32 @!p0 $0x1;
	_ =	shalt  }
.Lfunc_end2:
_tile_overlayer_lowered:
.L_overlay_start_2:
0x32: {  	(tag) =	ssettag $0x2  }
0x33: {  	s0 =	rddreg [dreg:$0x0];
	s2 =	stileid.u32  }
0x34: {  	s1 =	rddreg [dreg:$0x1];
	p0 =	sne.s32 s2, $0x0  }
0x35: {  	s3 =	rddreg [dreg:$0x2];
	[bflag:$0x3] =	sbarrier.arrive $0xFFFF;
	s2 =	simm.s32 @!p0 $0x1C01  }
0x36: {  	[timem:s3], [sflag:s2] =	dma.local @!p0 [hbm:s0], s1  }
0x37: {  	s0 =	simm.s32 @!p0 $0x1  }
0x38: {  	_ =	swait.ge @!p0 [sflag:s0], s1  }
0x39: {  	s1 =	ssub.s32 @!p0 $0x0, s1;
	[sflag:s0] =	ssyncset.done @!p0 $0x0  }
0x3a: {  	[sflag:s0] =	ssyncadd.s32 @!p0 s1  }
0x3b: {  	[bflag:$0x3] =	sbarrier.arrive $0xFFFF  }
0x3c: {  	_ =	shalt  }

// kernel: kernel.9.cloned.1.call-start
scs
__scs_entry_jumppad:
0x0: {  	(pc) =	sbr.rel $0x88, $3  }
0x1: {  	(tag) =	ssettag $0x0;
	lr =	simm.s32 $0x1  }
0x2: {  	[smem:$0x3F98] =	sst lr;
	_ =	strace $0xD0000000  }
0x3: {  	_ = 	snop  }
0x4: {  	_ = 	snop  }
0x5: {  	_ = 	snop  }
0x6: {  	_ = 	snop  }
0x7: {  	_ = 	snop  }
__scs_overlays_trampoline_lowered:
0x8: {  	[smem:$0x3FA7] =	sst s0  }
0x9: {  	[smem:$0x3FA8] =	sst s1  }
0xa: {  	[smem:$0x3FA9] =	sst s2  }
0xb: {  	[smem:$0x3FAA] =	sst s3  }
0xc: {  	[smem:$0x3FAB] =	sst s4  }
0xd: {  	[smem:$0x3FAC] =	sst s5  }
0xe: {  	[smem:$0x3FAD] =	sst s6  }
0xf: {  	[smem:$0x3FAE] =	sst s7  }
0x10: {  	[smem:$0x3FAF] =	sst s8  }
0x11: {  	[smem:$0x3FB0] =	sst s9;
	s0 =	simm.s32 @!p0 $0x0  }
0x12: {  	s1 =	sld [smem:$0x3F96];
	s0 =	simm.s32 @p0 $0x1  }
0x13: {  	[smem:$0x3FB1] =	sst s0;
	s0 =	simm.s32 @!p1 $0x0  }
0x14: {  	s2 =	sld [smem:$0x3F95];
	s0 =	simm.s32 @p1 $0x1  }
0x15: {  	[smem:$0x3FB2] =	sst s0;
	s0 =	simm.s32 @!p2 $0x0  }
0x16: {  	s3 =	sld [smem:$0x3FDB];
	s0 =	simm.s32 @p2 $0x1  }
0x17: {  	s4 =	simm.s32 $0x1BF5;
	[smem:$0x3FB4] =	sst s0  }
0x18: {  	s0 =	sld [smem:$0x3F97];
	_ =	swait.ge [sflag:s4], $0x0  }
0x19: {  	s7 =	sld [smem:$0x3F98]  }
0x1a: {  	s8 =	sadd.s32 $0xFFFFE003, lr  }
0x1b: {  	s9 =	sadd.s32 $0xFFFFFEF7, lr;
	s5 =	simm.s32 $0xFFFFFFFF;
	p2 =	slt.u32 s8, $0xFFFFF086  }
0x1c: {  	p1 =	slt.u32 s9, $0xF7A;
	s5 =	simm.s32 @!p2 $0x0  }
0x1d: {  	s5 =	simm.s32 @p1 $0x1;
	p0 =	seq.s32 s7, s2  }
0x1e: {  	s7 =	smul.u32 @!p0 $0xF7A, s2;
	p2 =	seq.s32 @!p0 s5, $0x0  }
0x1f: {  	s9 =	smul.u32 $0xF7A, s1;
	s8 =	simm.s32 @!p0 $0x1BF5;
	p2 =	por !p2, p0  }
0x20: {  	[sflag:s8] =	ssyncset.s32 @!p0 $0xFFFFF086;
	s6 =	sadd.s32 @!p0 s3, s7;
	s7 =	simm.s32 @!p0 $0x108  }
0x21: {  	s3 =	sadd.s32 s3, s9;
	s6 =	sadd.s32 @!p0 $0x88, s6;
	s7 =	simm.s32 @p2 $0x1082  }
0x22: {  	[simem:s7], [sflag:s8] =	dma.local @!p0 [hbm:s6], $0xF7A  }
0x23: {  	s9 =	sor.u32 $0xD0000000, s2;
	s6 =	simm.s32 $0x108;
	_ =	swait.ge @!p0 [sflag:s8], $0x0  }
0x24: {  	s3 =	sadd.s32 $0x88, s3;
	s6 =	simm.s32 @!p1 $0x1082;
	[sflag:s4] =	ssyncset.s32 $0xFFFFF086  }
0x25: {  	[simem:s6], [sflag:s4] =	dma.local [hbm:s3], $0xF7A  }
0x26: {  	[smem:$0x3F98] =	sst s1;
	(tag) =	ssettag s2;
	_ =	strace s9  }
0x27: {  	s1 =	sld [smem:$0x3FA8]  }
0x28: {  	s2 =	sld [smem:$0x3FA9]  }
0x29: {  	s4 =	sld [smem:$0x3FAB]  }
0x2a: {  	p0 =	seq.s32 s5, $0x0;
	s5 =	sld [smem:$0x3FAC]  }
0x2b: {  	s6 =	sld [smem:$0x3FAD]  }
0x2c: {  	s7 =	sld [smem:$0x3FAE]  }
0x2d: {  	s3 =	simm.s32 $0x108;
	s8 =	sld [smem:$0x3FAF]  }
0x2e: {  	s3 =	simm.s32 @!p0 $0x1082;
	s9 =	sld [smem:$0x3FB0]  }
0x2f: {  	lr =	sadd.s32 s0, s3;
	s0 =	sld [smem:$0x3FA7]  }
0x30: {  	s3 =	sld [smem:$0x3FAA]  }
0x31: {  	[smem:$0x3FB3] =	sst s10  }
0x32: {  	s10 =	sld [smem:$0x3FB1];
	_ =	sdelay $0x3  }
0x33: {  	p0 =	seq.s32 s10, $0x1;
	s10 =	sld [smem:$0x3FB3];
	_ =	sdelay $0x3  }
0x34: {  	[smem:$0x3FB3] =	sst s10  }
0x35: {  	s10 =	sld [smem:$0x3FB2];
	_ =	sdelay $0x3  }
0x36: {  	p1 =	seq.s32 s10, $0x1;
	s10 =	sld [smem:$0x3FB3];
	_ =	sdelay $0x3  }
0x37: {  	[smem:$0x3FB3] =	sst s10  }
0x38: {  	s10 =	sld [smem:$0x3FB4]  }
0x39: {  	_ = 	snop;
	(pc) =	sbr.ind lr, $3  }
0x3a: {  	_ = 	snop  }
0x3b: {  	_ = 	snop  }
0x3c: {  	p2 =	seq.s32 s10, $0x1;
	s10 =	sld [smem:$0x3FB3]  }
0x3d: {  	_ =	shalt  }
0x3e: {  	_ =	shalt  }
0x3f: {  	_ =	shalt  }
0x40: {  	_ =	shalt  }
0x41: {  	_ =	shalt  }
0x42: {  	_ =	shalt  }
0x43: {  	_ =	shalt  }
0x44: {  	_ =	shalt  }
0x45: {  	_ =	shalt  }
0x46: {  	_ =	shalt  }
0x47: {  	_ =	shalt  }
0x48: {  	_ =	shalt  }
0x49: {  	_ =	shalt  }
0x4a: {  	_ =	shalt  }
0x4b: {  	_ =	shalt  }
0x4c: {  	_ =	shalt  }
0x4d: {  	_ =	shalt  }
0x4e: {  	_ =	shalt  }
0x4f: {  	_ =	shalt  }
0x50: {  	_ =	shalt  }
0x51: {  	_ =	shalt  }
0x52: {  	_ =	shalt  }
0x53: {  	_ =	shalt  }
0x54: {  	_ =	shalt  }
0x55: {  	_ =	shalt  }
0x56: {  	_ =	shalt  }
0x57: {  	_ =	shalt  }
0x58: {  	_ =	shalt  }
0x59: {  	_ =	shalt  }
0x5a: {  	_ =	shalt  }
0x5b: {  	_ =	shalt  }
0x5c: {  	_ =	shalt  }
0x5d: {  	_ =	shalt  }
0x5e: {  	_ =	shalt  }
0x5f: {  	_ =	shalt  }
0x60: {  	_ =	shalt  }
0x61: {  	_ =	shalt  }
0x62: {  	_ =	shalt  }
0x63: {  	_ =	shalt  }
0x64: {  	_ =	shalt  }
0x65: {  	_ =	shalt  }
0x66: {  	_ =	shalt  }
0x67: {  	_ =	shalt  }
0x68: {  	_ =	shalt  }
0x69: {  	_ =	shalt  }
0x6a: {  	_ =	shalt  }
0x6b: {  	_ =	shalt  }
0x6c: {  	_ =	shalt  }
0x6d: {  	_ =	shalt  }
0x6e: {  	_ =	shalt  }
0x6f: {  	_ =	shalt  }
0x70: {  	_ =	shalt  }
0x71: {  	_ =	shalt  }
0x72: {  	_ =	shalt  }
0x73: {  	_ =	shalt  }
0x74: {  	_ =	shalt  }
0x75: {  	_ =	shalt  }
0x76: {  	_ =	shalt  }
0x77: {  	_ =	shalt  }
0x78: {  	_ =	shalt  }
0x79: {  	_ =	shalt  }
0x7a: {  	_ =	shalt  }
0x7b: {  	_ =	shalt  }
0x7c: {  	_ =	shalt  }
0x7d: {  	_ =	shalt  }
0x7e: {  	_ =	shalt  }
0x7f: {  	_ =	shalt  }
0x80: {  	_ =	shalt  }
0x81: {  	_ =	shalt  }
0x82: {  	_ =	shalt  }
0x83: {  	_ =	shalt  }
0x84: {  	_ =	shalt  }
0x85: {  	_ =	shalt  }
0x86: {  	_ =	shalt  }
0x87: {  	_ =	shalt  }
.Lfunc_end0:
.L_simem_size_0:
called_computation.1_lowered:
.L_overlay_start_0:
0x88: {  	s2 =	sld [smem:$0x3FD9]  }
0x89: {  	s3 =	sld [smem:$0x3FFE];
	_ =	sdelay $0x1  }
0x8a: {  	s1 =	srdreg.scid  }
0x8b: {  	s0 =	sand.u32 $0x1, s1  }
0x8c: {  	s16 =	sshll.u32 s0, $0xA;
	s2 =	sadd.s32 s3, s2  }
0x8d: {  	s2 =	sadd.s32 s2, s16  }
0x8e: {  	[smem:$0x3FBF] =	sst s2  }
0x8f: {  	_ = 	snop  }
0x90: {  	(tm) =	ssettm $0x1  }
0x91: {  	s17 =	sld [smem:$0x3FFB];
	_ =	sdelay $0x3  }
0x92: {  	_ =	strace s17  }
0x93: {  	s2 =	sld [smem:$0x3FFC];
	_ =	sdelay $0x3  }
0x94: {  	_ =	strace s2  }
0x95: {  	s2 =	sld [smem:$0x3FFD];
	_ =	sdelay $0x3  }
0x96: {  	_ =	strace s2  }
0x97: {  	_ =	strace $0x8FFFFFFF  }
0x98: {  	s18 =	sld [smem:$0x3FDB];
	_ =	sdelay $0x1  }
0x99: {  	s19 =	simm.s32 $_scs_section_size  }
0x9a: {  	s4 =	simm.s32 $_size__tile_overlayer_lowered;
	s5 =	simm.s32 $_tile_overlayer_lowered  }
0x9b: {  	s22 =	simm.s32 $0x1BFF;
	s21 =	sshll.u32 s5, $0x1;
	s2 =	sadd.s32 s19, s18  }
0x9c: {  	s6 =	simm.s32 $0x0;
	s20 =	sshll.u32 s4, $0x1;
	s4 =	sadd.s32 s21, s2  }
0x9d: {  	[timem:s6], [sflag:s22] =	dma.local [hbm:s4], s20  }
0x9e: {  	_ =	swait.ge [sflag:s22], s20  }
0x9f: {  	s3 =	ssub.s32 $0x0, s20;
	[sflag:s22] =	ssyncset.done $0x0  }
0xa0: {  	[sflag:s22] =	ssyncadd.s32 s3;
	_ =	sdelay $0x1  }
0xa1: {  	s23 =	simm.s32 $0x1B8B  }
0xa2: {  	_ =	swait.ge [sflag:s23], $0x1  }
0xa3: {  	[sflag:s23] =	ssyncset.done $0x0  }
0xa4: {  	s25 =	simm.s32 $0x1B8E;
	s24 =	sld [smem:$0x3FFE];
	[sflag:s23] =	ssyncadd.s32 $0xFFFFFFFF  }
0xa5: {  	s26 =	simm.s32 $execute0_lowered;
	[smem:$0x3FD2] =	sst s25  }
0xa6: {  	s4 =	sshll.u32 s26, $0x1;
	_ =	strace $0x80000049;
	[dreg:$0x1] =	wrdreg $0xFFFFFFFF  }
0xa7: {  	s28 =	simm.s32 $_size_execute0_lowered;
	s2 =	sadd.s32 s2, s4;
	[dreg:$0x0] =	wrdreg $0x0  }
0xa8: {  	s4 =	sshll.u32 s28, $0x1;
	[dreg:$0x2] =	wrdreg s2  }
0xa9: {  	[dreg:$0x3] =	wrdreg s4  }
0xaa: {  	[dreg:$0x4] =	wrdreg $0xC0  }
0xab: {  	_ =	task [dreg:s6], $0x5FFFF  }
0xac: {  	[dreg:$0x1] =	wrdreg $0xFFFFFFFF  }
0xad: {  	[dreg:$0x0] =	wrdreg $0x60  }
0xae: {  	[dreg:$0x2] =	wrdreg s24  }
0xaf: {  	[dreg:$0x3] =	wrdreg $0x140000  }
0xb0: {  	[dreg:$0x4] =	wrdreg $0x9  }
0xb1: {  	_ =	task.clear_ibuf [dreg:s6], $0x5FFFF;
	_ =	strace $0x90000049  }
0xb2: {  	s29 =	simm.s32 $0x9;
	_ =	strace $0x8000004B  }
0xb3: {  	_ =	swait.ge [sflag:s29], $0x1  }
0xb4: {  	[sflag:s29] =	ssyncadd.s32 $0xFFFFFFFF  }
0xb5: {  	_ =	strace $0x9000004B  }
0xb6: {  	_ =	sfence  }
0xb7: {  	s30 =	sld [smem:$0x0];
	_ =	sdelay $0x2  }
0xb8: {  	s31 =	sshll.u32 s1, $0xD;
	s1 =	sshrl.u32 s1, $0x2  }
0xb9: {  	s3 =	sand.u32 $0x4000, s31;
	s1 =	sadd.s32 s1, s30  }
0xba: {  	s0 =	sor.u32 s3, s0;
	s1 =	sshll.u32 s1, $0x11  }
0xbb: {  	s0 =	sor.u32 s1, s0  }
0xbc: {  	s0 =	sadd.s32 $0x8F2B, s0  }
0xbd: {  	[sflag:s0] =	ssyncadd.remote.s32 $0x1  }
0xbe: {  	_ =	sfence.sel $0xFFFF  }
0xbf: {  	[dreg:$0x0] =	wrdreg $0xFFFFFFFF;
	(pc) =	sbr.abs _section_cstart, $3  }
0xc0: {  	[dreg:$0x1] =	wrdreg $0xFFFFFFFF  }
0xc1: {  	_ =	task.clear_ibuf [dreg:s6], $0x2FFFF;
	_ =	strace $0x9FFFFFFF  }
0xc2: {  	(tm) =	ssettm $0x7FFFFFFF  }
0xc3: {  	_ =	shalt  }
tec
execute0_lowered:
.L_overlay_start_1:
0x0: {  	(tag) =	ssettag $0x1  }
0x1: {  	s0 =	srdreg.scid  }
0x2: {  	s12 =	stileid.u32;
	s1 =	rddreg [dreg:$0x0]  }
0x3: {  	s2 =	rddreg [dreg:$0x1];
	s3 =	simm.s32 $0x0;
	s14 =	simm.s32 $0x80  }
0x4: {  	s15 =	simm.s32 $0xA000;
	s16 =	simm.s32 $0xC000;
	s18 =	simm.s32 $0xE000  }
0x5: {  	s20 =	simm.s32 $0x10000;
	s22 =	simm.s32 $0x12000;
	s23 =	simm.s32 $0x1  }
0x6: {  	s24 =	simm.s32 $0x2;
	s25 =	simm.s32 $0x3;
	s28 =	simm.s32 $0x5  }
0x7: {  	s29 =	simm.s32 $0x9D80;
	s30 =	simm.s32 $0x9E00;
	s5 =	smul.u32 $0x5000, s12  }
0x8: {  	s31 =	simm.s32 $0x9E80;
	s0 =	sand.u32 $0x1, s0;
	s8 =	smul.u32 $0xA000, s12  }
0x9: {  	[smem:$0x7FF] =	sst s3;
	s26 =	sshll.u32 s12, $0x6;
	s4 =	smul.u32 $0x50000, s0  }
0xa: {  	s7 =	smul.u32 $0xA0000, s0;
	_ =	strace $0x8000004A;
	s0 =	ssub.s32 $0x2, s0  }
0xb: {  	s12 =	sor.u32 $0x1C06, s26;
	s26 =	simm.s32 $0x4;
	s10 =	sshrl.u32 s0, $0x1  }
0xc: {  	s11 =	sadd.s32 s8, s2;
	s4 =	sadd.s32 s5, s4;
	s5 =	sshrl.u32 s5, $0x3  }
0xd: {  	s7 =	sadd.s32 s8, s7;
	s0 =	ssub.s32 s0, s10;
	s10 =	simm.s32 $0x6  }
0xe: {  	s13 =	sshrl.u32 s11, $0x3;
	s11 =	simm.s32 $0x0;
	s6 =	sshrl.u32 s4, $0x3  }
0xf: {  	s4 =	sadd.s32 $0x2A800, s1;
	s9 =	sadd.s32 s5, s1;
	s7 =	sshrl.u32 s7, $0x3  }
0x10: {  	s5 =	sadd.s32 $0x1C00, s1;
	s6 =	sadd.s32 s6, s1;
	s1 =	sadd.s32 s7, s1  }
0x11: {  	s7 =	sadd.s32 $0xC800, s9;
	s9 =	smax.u32 s0, $0x1;
	s0 =	simm.s32 $0x9F80  }
0x12: {  	s6 =	sadd.s32 $0x16800, s6;
	s8 =	sadd.s32 $0x51A00, s1;
	s1 =	simm.s32 $0x9F00  }
.LBB2_1:
0x13: {  	[tilespmem:s3], [sflag:$0x6] =	stream.linear.gather [hbm4b:s6+s3], $0x5000, $0x38;
	[tilespmem:$0x1E000] =	vst v63  }
0x14: {  	_ =	swait.ge [sflag:s10], $0x5000  }
0x15: {  	[sflag:s10] =	ssyncset.done $0x0  }
0x16: {  	s17 =	simm.s32 $0x5000;
	[sflag:s10] =	ssyncadd.s32 $0xFFFFB000  }
0x17: {  	[tilespmem:s17], [sflag:$0x6] =	stream.linear.gather [hbm4b:s7+s3], $0x5000, $0x38;
	[tilespmem:$0x1E000] =	vst v63  }
0x18: {  	_ =	swait.ge [sflag:s10], $0x5000  }
0x19: {  	[sflag:s10] =	ssyncset.done $0x0  }
0x1a: {  	[sflag:s10] =	ssyncadd.s32 $0xFFFFB000  }
0x1b: {  	[spmem:s13], [sflag:s12] =	dma.local [hbm:s5], $0x1400  }
0x1c: {  	_ =	swait.ge [sflag:s10], $0x1400  }
0x1d: {  	[sflag:s10] =	ssyncset.done $0x0  }
0x1e: {  	[sflag:s10] =	ssyncadd.s32 $0xFFFFEC00  }
0x1f: {  	[bflag:$0x0] =	sbarrier.arrive $0xFFFF  }
0x20: {  	[tilespmem:s15], [sflag:$0x1] =	stream.indirect.gather [hbm4b:s4+s14], $0x40, s3, s14, $0xb8;
	[tilespmem:$0x1E000] =	vst v63  }
0x21: {  	_ = 	snop  }
0x22: {  	[tilespmem:s16], [sflag:$0x2] =	stream.indirect.gather [hbm4b:s4+s14], $0x40, s14, s14, $0xb8;
	[tilespmem:$0x1E000] =	vst v63  }
0x23: {  	s19 =	simm.s32 $0x100  }
0x24: {  	[tilespmem:s18], [sflag:$0x3] =	stream.indirect.gather [hbm4b:s4+s14], $0x40, s19, s14, $0xb8;
	[tilespmem:$0x1E000] =	vst v63  }
0x25: {  	s21 =	simm.s32 $0x180  }
0x26: {  	[tilespmem:s20], [sflag:$0x4] =	stream.indirect.gather [hbm4b:s4+s14], $0x40, s21, s14, $0xb8;
	[tilespmem:$0x1E000] =	vst v63  }
0x27: {  	s19 =	simm.s32 $0x200  }
0x28: {  	[tilespmem:s22], [sflag:$0x5] =	stream.indirect.gather [hbm4b:s4+s14], $0x40, s19, s14, $0xb8;
	[tilespmem:$0x1E000] =	vst v63  }
0x29: {  	_ =	swait.ge [sflag:s23], $0x2000  }
0x2a: {  	[sflag:s23] =	ssyncset.done $0x0  }
0x2b: {  	s21 =	simm.s32 $0x5000;
	[sflag:s23] =	ssyncadd.s32 $0xFFFFE000  }
0x2c: {  	[spmem:s2] =	stream.indirect.scatter.add.f32 [tilespmem:s15], [sflag:$0x6], $0x40, s21, s14, $0xb8;
	[tilespmem:$0x1E000] =	vst v63  }
0x2d: {  	_ =	swait.ge [sflag:s10], $0x2000  }
0x2e: {  	[sflag:s10] =	ssyncset.done $0x0  }
0x2f: {  	s19 =	simm.s32 $0x280;
	[sflag:s10] =	ssyncadd.s32 $0xFFFFE000  }
0x30: {  	[tilespmem:s15], [sflag:$0x1] =	stream.indirect.gather [hbm4b:s4+s14], $0x40, s19, s14, $0xb8;
	[tilespmem:$0x1E000] =	vst v63  }
0x31: {  	_ =	swait.ge [sflag:s24], $0x2000  }
0x32: {  	[sflag:s24] =	ssyncset.done $0x0  }
0x33: {  	s21 =	simm.s32 $0x5080;
	[sflag:s24] =	ssyncadd.s32 $0xFFFFE000  }
0x34: {  	[spmem:s2] =	stream.indirect.scatter.add.f32 [tilespmem:s16], [sflag:$0x6], $0x40, s21, s14, $0xb8;
	[tilespmem:$0x1E000] =	vst v63  }
0x35: {  	_ =	swait.ge [sflag:s10], $0x2000  }
0x36: {  	[sflag:s10] =	ssyncset.done $0x0  }
0x37: {  	s19 =	simm.s32 $0x300;
	[sflag:s10] =	ssyncadd.s32 $0xFFFFE000  }
0x38: {  	[tilespmem:s16], [sflag:$0x2] =	stream.indirect.gather [hbm4b:s4+s14], $0x40, s19, s14, $0xb8;
	[tilespmem:$0x1E000] =	vst v63  }
0x39: {  	_ =	swait.ge [sflag:s25], $0x2000  }
0x3a: {  	[sflag:s25] =	ssyncset.done $0x0  }
0x3b: {  	s21 =	simm.s32 $0x5100;
	[sflag:s25] =	ssyncadd.s32 $0xFFFFE000  }
0x3c: {  	[spmem:s2] =	stream.indirect.scatter.add.f32 [tilespmem:s18], [sflag:$0x6], $0x40, s21, s14, $0xb8;
	[tilespmem:$0x1E000] =	vst v63  }
0x3d: {  	_ =	swait.ge [sflag:s10], $0x2000  }
0x3e: {  	[sflag:s10] =	ssyncset.done $0x0  }
0x3f: {  	s19 =	simm.s32 $0x380;
	[sflag:s10] =	ssyncadd.s32 $0xFFFFE000  }
0x40: {  	[tilespmem:s18], [sflag:$0x3] =	stream.indirect.gather [hbm4b:s4+s14], $0x40, s19, s14, $0xb8;
	[tilespmem:$0x1E000] =	vst v63  }
0x41: {  	_ =	swait.ge [sflag:s26], $0x2000  }
0x42: {  	[sflag:s26] =	ssyncset.done $0x0  }
0x43: {  	s21 =	simm.s32 $0x5180;
	[sflag:s26] =	ssyncadd.s32 $0xFFFFE000  }
0x44: {  	[spmem:s2] =	stream.indirect.scatter.add.f32 [tilespmem:s20], [sflag:$0x6], $0x40, s21, s14, $0xb8;
	[tilespmem:$0x1E000] =	vst v63  }
0x45: {  	_ =	swait.ge [sflag:s10], $0x2000  }
0x46: {  	[sflag:s10] =	ssyncset.done $0x0  }
0x47: {  	s19 =	simm.s32 $0x400;
	[sflag:s10] =	ssyncadd.s32 $0xFFFFE000  }
0x48: {  	[tilespmem:s20], [sflag:$0x4] =	stream.indirect.gather [hbm4b:s4+s14], $0x40, s19, s14, $0xb8;
	[tilespmem:$0x1E000] =	vst v63  }
0x49: {  	_ =	swait.ge [sflag:s28], $0x2000  }
0x4a: {  	[sflag:s28] =	ssyncset.done $0x0  }
0x4b: {  	s21 =	simm.s32 $0x5200;
	[sflag:s28] =	ssyncadd.s32 $0xFFFFE000  }
0x4c: {  	[spmem:s2] =	stream.indirect.scatter.add.f32 [tilespmem:s22], [sflag:$0x6], $0x40, s21, s14, $0xb8;
	[tilespmem:$0x1E000] =	vst v63  }
0x4d: {  	_ =	swait.ge [sflag:s10], $0x2000  }
0x4e: {  	[sflag:s10] =	ssyncset.done $0x0  }
0x4f: {  	s17 =	simm.s32 $0xA00;
	s19 =	simm.s32 $0x480;
	[sflag:s10] =	ssyncadd.s32 $0xFFFFE000  }
.LBB2_2:
0x50: {  	[tilespmem:s22], [sflag:$0x5] =	stream.indirect.gather [hbm4b:s4+s14], $0x40, s19, s14, $0xb8;
	[tilespmem:$0x1E000] =	vst v63  }
0x51: {  	s19 =	smov.u32 s17  }
0x52: {  	p0 =	sne.s32 s17, $0x12C00;
	s17 =	sadd.s32 $0xA00, s17;
	_ =	swait.ge [sflag:s23], $0x2000  }
0x53: {  	s19 =	sshra.s32 s19, $0x2;
	[sflag:s23] =	ssyncset.done $0x0  }
0x54: {  	s21 =	sadd.s32 $0x5000, s19;
	[sflag:s23] =	ssyncadd.s32 $0xFFFFE000  }
0x55: {  	[spmem:s2] =	stream.indirect.scatter.add.f32 [tilespmem:s15], [sflag:$0x6], $0x40, s21, s14, $0xb8;
	[tilespmem:$0x1E000] =	vst v63  }
0x56: {  	_ =	swait.ge [sflag:s10], $0x2000  }
0x57: {  	[sflag:s10] =	ssyncset.done $0x0  }
0x58: {  	s21 =	sadd.s32 $0x280, s19;
	[sflag:s10] =	ssyncadd.s32 $0xFFFFE000  }
0x59: {  	[tilespmem:s15], [sflag:$0x1] =	stream.indirect.gather [hbm4b:s4+s14], $0x40, s21, s14, $0xb8;
	[tilespmem:$0x1E000] =	vst v63  }
0x5a: {  	_ =	swait.ge [sflag:s24], $0x2000  }
0x5b: {  	[sflag:s24] =	ssyncset.done $0x0  }
0x5c: {  	s21 =	sadd.s32 $0x5080, s19;
	[sflag:s24] =	ssyncadd.s32 $0xFFFFE000  }
0x5d: {  	[spmem:s2] =	stream.indirect.scatter.add.f32 [tilespmem:s16], [sflag:$0x6], $0x40, s21, s14, $0xb8;
	[tilespmem:$0x1E000] =	vst v63  }
0x5e: {  	_ =	swait.ge [sflag:s10], $0x2000  }
0x5f: {  	[sflag:s10] =	ssyncset.done $0x0  }
0x60: {  	s21 =	sadd.s32 $0x300, s19;
	[sflag:s10] =	ssyncadd.s32 $0xFFFFE000  }
0x61: {  	[tilespmem:s16], [sflag:$0x2] =	stream.indirect.gather [hbm4b:s4+s14], $0x40, s21, s14, $0xb8;
	[tilespmem:$0x1E000] =	vst v63  }
0x62: {  	_ =	swait.ge [sflag:s25], $0x2000  }
0x63: {  	[sflag:s25] =	ssyncset.done $0x0  }
0x64: {  	s21 =	sadd.s32 $0x5100, s19;
	[sflag:s25] =	ssyncadd.s32 $0xFFFFE000  }
0x65: {  	[spmem:s2] =	stream.indirect.scatter.add.f32 [tilespmem:s18], [sflag:$0x6], $0x40, s21, s14, $0xb8;
	[tilespmem:$0x1E000] =	vst v63  }
0x66: {  	_ =	swait.ge [sflag:s10], $0x2000  }
0x67: {  	[sflag:s10] =	ssyncset.done $0x0  }
0x68: {  	s21 =	sadd.s32 $0x380, s19;
	[sflag:s10] =	ssyncadd.s32 $0xFFFFE000  }
0x69: {  	[tilespmem:s18], [sflag:$0x3] =	stream.indirect.gather [hbm4b:s4+s14], $0x40, s21, s14, $0xb8;
	[tilespmem:$0x1E000] =	vst v63  }
0x6a: {  	_ =	swait.ge [sflag:s26], $0x2000  }
0x6b: {  	[sflag:s26] =	ssyncset.done $0x0  }
0x6c: {  	s21 =	sadd.s32 $0x5180, s19;
	[sflag:s26] =	ssyncadd.s32 $0xFFFFE000  }
0x6d: {  	[spmem:s2] =	stream.indirect.scatter.add.f32 [tilespmem:s20], [sflag:$0x6], $0x40, s21, s14, $0xb8;
	[tilespmem:$0x1E000] =	vst v63  }
0x6e: {  	_ =	swait.ge [sflag:s10], $0x2000  }
0x6f: {  	[sflag:s10] =	ssyncset.done $0x0  }
0x70: {  	s21 =	sadd.s32 $0x400, s19;
	[sflag:s10] =	ssyncadd.s32 $0xFFFFE000  }
0x71: {  	[tilespmem:s20], [sflag:$0x4] =	stream.indirect.gather [hbm4b:s4+s14], $0x40, s21, s14, $0xb8;
	[tilespmem:$0x1E000] =	vst v63  }
0x72: {  	_ =	swait.ge [sflag:s28], $0x2000  }
0x73: {  	[sflag:s28] =	ssyncset.done $0x0  }
.Ltmp0:
0x74: {  	s21 =	sadd.s32 $0x5200, s19;
	[sflag:s28] =	ssyncadd.s32 $0xFFFFE000;
	(pc) =	sbr.rel @p0 .LBB2_2-.Ltmp0, $4  }
0x75: {  	[spmem:s2] =	stream.indirect.scatter.add.f32 [tilespmem:s22], [sflag:$0x6], $0x40, s21, s14, $0xb8;
	[tilespmem:$0x1E000] =	vst v63  }
0x76: {  	_ =	swait.ge [sflag:s10], $0x2000  }
0x77: {  	[sflag:s10] =	ssyncset.done $0x0  }
0x78: {  	s19 =	sadd.s32 $0x480, s19;
	[sflag:s10] =	ssyncadd.s32 $0xFFFFE000  }
0x79: {  	[tilespmem:s22], [sflag:$0x5] =	stream.indirect.gather [hbm4b:s4+s14], $0x40, s19, s14, $0xb8;
	[tilespmem:$0x1E000] =	vst v63  }
0x7a: {  	_ =	swait.ge [sflag:s23], $0x2000  }
0x7b: {  	[sflag:s23] =	ssyncset.done $0x0  }
0x7c: {  	[sflag:s23] =	ssyncadd.s32 $0xFFFFE000  }
0x7d: {  	[spmem:s2] =	stream.indirect.scatter.add.f32 [tilespmem:s15], [sflag:$0x6], $0x40, s29, s14, $0xb8;
	[tilespmem:$0x1E000] =	vst v63  }
0x7e: {  	_ =	swait.ge [sflag:s10], $0x2000  }
0x7f: {  	[sflag:s10] =	ssyncset.done $0x0  }
0x80: {  	[sflag:s10] =	ssyncadd.s32 $0xFFFFE000  }
0x81: {  	_ =	swait.ge [sflag:s24], $0x2000  }
0x82: {  	[sflag:s24] =	ssyncset.done $0x0  }
0x83: {  	[sflag:s24] =	ssyncadd.s32 $0xFFFFE000  }
0x84: {  	[spmem:s2] =	stream.indirect.scatter.add.f32 [tilespmem:s16], [sflag:$0x6], $0x40, s30, s14, $0xb8;
	[tilespmem:$0x1E000] =	vst v63  }
0x85: {  	_ =	swait.ge [sflag:s10], $0x2000  }
0x86: {  	[sflag:s10] =	ssyncset.done $0x0  }
0x87: {  	[sflag:s10] =	ssyncadd.s32 $0xFFFFE000  }
0x88: {  	_ =	swait.ge [sflag:s25], $0x2000  }
0x89: {  	[sflag:s25] =	ssyncset.done $0x0  }
0x8a: {  	[sflag:s25] =	ssyncadd.s32 $0xFFFFE000  }
0x8b: {  	[spmem:s2] =	stream.indirect.scatter.add.f32 [tilespmem:s18], [sflag:$0x6], $0x40, s31, s14, $0xb8;
	[tilespmem:$0x1E000] =	vst v63  }
0x8c: {  	_ =	swait.ge [sflag:s10], $0x2000  }
0x8d: {  	[sflag:s10] =	ssyncset.done $0x0  }
0x8e: {  	[sflag:s10] =	ssyncadd.s32 $0xFFFFE000  }
0x8f: {  	_ =	swait.ge [sflag:s26], $0x2000  }
0x90: {  	[sflag:s26] =	ssyncset.done $0x0  }
0x91: {  	[sflag:s26] =	ssyncadd.s32 $0xFFFFE000  }
0x92: {  	[spmem:s2] =	stream.indirect.scatter.add.f32 [tilespmem:s20], [sflag:$0x6], $0x40, s1, s14, $0xb8;
	[tilespmem:$0x1E000] =	vst v63  }
0x93: {  	_ =	swait.ge [sflag:s10], $0x2000  }
0x94: {  	[sflag:s10] =	ssyncset.done $0x0  }
0x95: {  	[sflag:s10] =	ssyncadd.s32 $0xFFFFE000  }
0x96: {  	_ =	swait.ge [sflag:s28], $0x2000  }
0x97: {  	[sflag:s28] =	ssyncset.done $0x0  }
0x98: {  	[sflag:s28] =	ssyncadd.s32 $0xFFFFE000  }
0x99: {  	[spmem:s2] =	stream.indirect.scatter.add.f32 [tilespmem:s22], [sflag:$0x6], $0x40, s0, s14, $0xb8;
	[tilespmem:$0x1E000] =	vst v63  }
0x9a: {  	_ =	swait.ge [sflag:s10], $0x2000  }
0x9b: {  	s11 =	sadd.s32 $0x1, s11;
	[sflag:s10] =	ssyncset.done $0x0  }
0x9c: {  	p0 =	sne.s32 s11, s9;
	[sflag:s10] =	ssyncadd.s32 $0xFFFFE000  }
.Ltmp1:
0x9d: {  	[bflag:$0x0] =	sbarrier.arrive $0xFFFF;
	(pc) =	sbr.rel @p0 .LBB2_1-.Ltmp1, $4  }
0x9e: {  	[hbm:s8], [sflag:s12] =	dma.local [spmem:s13], $0x1400  }
0x9f: {  	_ =	swait.ge [sflag:s10], $0x1400  }
0xa0: {  	[sflag:s10] =	ssyncset.done $0x0  }
0xa1: {  	[sflag:s10] =	ssyncadd.s32 $0xFFFFEC00  }
0xa2: {  	_ =	sfence.sel $0x180000  }
0xa3: {  	[bflag:$0x0] =	sbarrier.arrive $0xFFFF  }
0xa4: {  	_ =	strace $0x9000004A  }
0xa5: {  	s0 =	stileid.u32;
	[bflag:$0x2] =	sbarrier.arrive $0xFFFF  }
0xa6: {  	p0 =	sne.s32 s0, $0x0;
	s0 =	rddreg [dreg:$0x2]  }
0xa7: {  	s0 =	sadd.s32 @!p0 $0x100000, s0  }
0xa8: {  	[sflag:s0] =	ssyncadd.tile.s32 @!p0 $0x1;
	_ =	shalt  }
.Lfunc_end2:
_tile_overlayer_lowered:
.L_overlay_start_2:
0xa9: {  	(tag) =	ssettag $0x2  }
0xaa: {  	s0 =	rddreg [dreg:$0x0];
	s2 =	stileid.u32  }
0xab: {  	s1 =	rddreg [dreg:$0x1];
	p0 =	sne.s32 s2, $0x0  }
0xac: {  	s3 =	rddreg [dreg:$0x2];
	[bflag:$0x3] =	sbarrier.arrive $0xFFFF;
	s2 =	simm.s32 @!p0 $0x1C06  }
0xad: {  	[timem:s3], [sflag:s2] =	dma.local @!p0 [hbm:s0], s1  }
0xae: {  	s0 =	simm.s32 @!p0 $0x6  }
0xaf: {  	_ =	swait.ge @!p0 [sflag:s0], s1  }
0xb0: {  	s1 =	ssub.s32 @!p0 $0x0, s1;
	[sflag:s0] =	ssyncset.done @!p0 $0x0  }
0xb1: {  	[sflag:s0] =	ssyncadd.s32 @!p0 s1  }
0xb2: {  	[bflag:$0x3] =	sbarrier.arrive $0xFFFF  }
0xb3: {  	_ =	shalt  }

</sc_bundles>
